<compile_context>
chip_gen: v7x
topology: tpu7x:2x2x1
jax: 0.10.2.dev20260603
libtpu: 0.0.44.dev20260713+nightly
codegen_flags: <defaults>
</compile_context>

<pallas_src>
import jax
import jax.numpy as jnp
from jax import lax
from jax.experimental import pallas as pl
from jax.experimental.pallas import tpu as pltpu
from jax.experimental.pallas import tpu_sc as plsc

N_NODES = 100000
D_FEAT = 128
B = 100000
K = 16

NC = 2
NS = 16
NW = NC * NS

CHUNK = 3200
SUB = 64
NSUB = CHUNK // SUB
NBUF = 8
LOOKAHEAD = 5
LAST_BASE = B - CHUNK
LAST_ALIGNED = 96768
SLICE = CHUNK + 128


def _body(table_hbm, neigh_hbm, pick_hbm, out_hbm,
          pick_v, neigh_v, chosen_v, rows_v, sem_g, sem_s):
    wid = lax.axis_index("s") * NC + lax.axis_index("c")
    base = jnp.minimum(wid * CHUNK, LAST_BASE)
    stage_base = jnp.minimum(wid * CHUNK, LAST_ALIGNED)
    col_off = base - stage_base

    cp_pick = pltpu.make_async_copy(
        pick_hbm.at[pl.ds(base, CHUNK)], pick_v, sem_s.at[0])
    cp_neigh = pltpu.make_async_copy(
        neigh_hbm.at[:, pl.ds(stage_base, SLICE)], neigh_v, sem_s.at[1])
    cp_pick.start()
    cp_neigh.start()
    cp_pick.wait()
    cp_neigh.wait()

    lane = lax.iota(jnp.int32, 16)

    def resolve(j):
        for c8 in range(SUB // 16):
            i = j * (SUB // 16) + c8
            pick16 = pick_v[pl.ds(i * 16, 16)]
            col16 = col_off + i * 16 + lane
            chosen16 = plsc.load_gather(neigh_v, [pick16, col16])
            chosen_v[pl.ds(i * 16, 16)] = chosen16

    def gather_start(j, slot):
        pltpu.make_async_copy(
            table_hbm.at[chosen_v.at[pl.ds(j * SUB, SUB)]],
            rows_v.at[slot], sem_g.at[slot]
        ).start()

    def gather_wait(j, slot):
        pltpu.make_async_copy(
            table_hbm.at[chosen_v.at[pl.ds(j * SUB, SUB)]],
            rows_v.at[slot], sem_g.at[slot]
        ).wait()

    def store_start(j, slot):
        pltpu.make_async_copy(
            rows_v.at[slot], out_hbm.at[pl.ds(base + j * SUB, SUB), :],
            sem_s.at[slot],
        ).start()

    def store_wait(j, slot):
        pltpu.make_async_copy(
            rows_v.at[slot], out_hbm.at[pl.ds(base + j * SUB, SUB), :],
            sem_s.at[slot],
        ).wait()

    for j in range(LOOKAHEAD):
        resolve(j)
        gather_start(j, j % NBUF)

    def step(j, _):
        slot = lax.rem(j, NBUF)
        ahead = j + LOOKAHEAD
        slot_ahead = lax.rem(ahead, NBUF)

        gather_wait(j, slot)
        store_start(j, slot)

        @pl.when(ahead < NSUB)
        def _():
            resolve(ahead)
            @pl.when(ahead - NBUF >= 0)
            def _():
                store_wait(ahead - NBUF, slot_ahead)
            gather_start(ahead, slot_ahead)

        return ()

    lax.fori_loop(0, NSUB, step, (), unroll=False)

    for j in range(NSUB - NBUF, NSUB):
        store_wait(j, j % NBUF)


@jax.jit
def kernel(features_table, neighbors, pick):
    mesh = plsc.VectorSubcoreMesh(core_axis_name="c", subcore_axis_name="s")
    run = pl.kernel(
        _body,
        out_type=jax.ShapeDtypeStruct((B, D_FEAT), jnp.float32),
        mesh=mesh,
        scratch_types=[
            pltpu.VMEM((CHUNK,), jnp.int32),
            pltpu.VMEM((K, SLICE), jnp.int32),
            pltpu.VMEM((CHUNK,), jnp.int32),
            pltpu.VMEM((NBUF, SUB, D_FEAT), jnp.float32),
            pltpu.SemaphoreType.DMA((NBUF,)),
            pltpu.SemaphoreType.DMA((NBUF,)),
        ],
        compiler_params=pltpu.CompilerParams(needs_layout_passes=False),
    )
    return run(features_table, neighbors.T, pick)

# --- scband reference (transcript-rebuilt; emitter-appended) ---
"""Pipeline reference for scband-random-aggregator-65644280152901 (READ-ONLY COPY).

The authoritative reference and input builder live on the scoring server;
editing this copy changes nothing except your own understanding.
"""

import jax, jax.numpy as jnp
import numpy as np

N_NODES = 100000
D_FEAT = 128
B = 100000
K = 16

def setup_inputs(seed: int = 0) -> dict:
    key = jax.random.key(seed)
    k1, k2, k3 = jax.random.split(key, 3)
    # Learned/looked-up parameter: the feature table that self.features maps node ids into.
    features_table = jax.random.normal(k1, (N_NODES, D_FEAT), dtype=jnp.float32)
    # Padded sampled neighbor lists (result of random.sample over to_neighs), one row per batch node.
    neighbors = jax.random.randint(k2, (B, K), 0, N_NODES, dtype=jnp.int32)
    # The random.randrange choice per node (which sampled neighbor is kept).
    pick = jax.random.randint(k3, (B,), 0, K, dtype=jnp.int32)
    return {"features_table": features_table, "neighbors": neighbors, "pick": pick}

def reference(features_table, neighbors, pick):
    # samp_neighs[i] = samp[random.randrange(len(samp))]  -> pick one neighbor id per node
    chosen = jnp.take_along_axis(neighbors, pick[:, None], axis=1)[:, 0]
    # embed_matrix = self.features(torch.LongTensor(samp_neighs)) -> embedding gather
    to_feats = jnp.take(features_table, chosen, axis=0)
    return to_feats

if __name__ == "__main__":
    import jax
    _d = setup_inputs()
    print(jax.jit(kernel)(*tuple(_d.values())))

</pallas_src>

<mosaic_0001>
#map = affine_map<(d0, d1) -> (0, 0)>
#map1 = affine_map<(d0, d1) -> (0)>
module attributes {stable_mosaic.version = 14 : i64} {
  func.func @_body(%arg0: i32, %arg1: i32, %arg2: memref<100000x128xf32, #tpu.memory_space<hbm>>, %arg3: memref<16x100000xi32, #tpu.memory_space<hbm>>, %arg4: memref<100000xi32, #tpu.memory_space<hbm>>, %arg5: memref<100000x128xf32, #tpu.memory_space<hbm>>, %arg6: memref<3200xi32, #tpu.memory_space<vmem>>, %arg7: memref<16x3328xi32, #tpu.memory_space<vmem>>, %arg8: memref<3200xi32, #tpu.memory_space<vmem>>, %arg9: memref<8x64x128xf32, #tpu.memory_space<vmem>>, %arg10: memref<8x!tpu.dma_semaphore, #tpu.memory_space<semaphore_mem>>, %arg11: memref<8x!tpu.dma_semaphore, #tpu.memory_space<semaphore_mem>>) attributes {dimension_semantics = [#tpu.dimension_semantics<core_parallel>, #tpu.dimension_semantics<subcore_parallel>], iteration_bounds = array<i64: 2, 16>, scalar_prefetch = 0 : i64, scratch_operands = 6 : i64, tpu.core_type = #tpu.core_type<sc_vector_subcore>, window_params = [{transform_indices = #map}, {transform_indices = #map}, {transform_indices = #map1}, {transform_indices = #map}]} {
    %mul3A = arith.constant 2 : i32
    %mul3A_0 = arith.muli %arg1, %mul3A : i32
    %add3A = arith.addi %mul3A_0, %arg0 : i32
    %mul3A_1 = arith.constant 3200 : i32
    %mul3A_2 = arith.muli %add3A, %mul3A_1 : i32
    %min3A = arith.constant 96800 : i32
    %min3A_3 = arith.minsi %mul3A_2, %min3A : i32
    %mul3A_4 = arith.constant 3200 : i32
    %mul3A_5 = arith.muli %add3A, %mul3A_4 : i32
    %min3A_6 = arith.constant 96768 : i32
    %min3A_7 = arith.minsi %mul3A_5, %min3A_6 : i32
    %sub3A = arith.subi %min3A_3, %min3A_7 : i32
    %dma_start3A = arith.constant 0 : i32
    %dma_start3A_8 = tpu.memref_slice %arg4[%min3A_3] : memref<100000xi32, #tpu.memory_space<hbm>> -> memref<3200xi32, #tpu.memory_space<hbm>>
    %dma_start3A_9 = tpu.memref_slice %arg11[%dma_start3A] : memref<8x!tpu.dma_semaphore, #tpu.memory_space<semaphore_mem>> -> memref<1x!tpu.dma_semaphore, #tpu.memory_space<semaphore_mem>>
    %dma_start3A_10 = tpu.memref_squeeze %dma_start3A_9 : memref<1x!tpu.dma_semaphore, #tpu.memory_space<semaphore_mem>> -> memref<!tpu.dma_semaphore, #tpu.memory_space<semaphore_mem>>
    %dma_start3A_11 = tpu.memref_slice %arg4[%min3A_3] : memref<100000xi32, #tpu.memory_space<hbm>> -> memref<3200xi32, #tpu.memory_space<hbm>>
    tpu.enqueue_dma source(%dma_start3A_11 : memref<3200xi32, #tpu.memory_space<hbm>>) target(%arg6 : memref<3200xi32, #tpu.memory_space<vmem>>) target_semaphore(%dma_start3A_10 : memref<!tpu.dma_semaphore, #tpu.memory_space<semaphore_mem>>)
    %dma_start3A_12 = arith.constant 1 : i32
    %dma_start3A_13 = arith.constant 0 : i32
    %dma_start3A_14 = tpu.memref_slice %arg3[%dma_start3A_13, %min3A_7] : memref<16x100000xi32, #tpu.memory_space<hbm>> -> memref<16x3328xi32, #tpu.memory_space<hbm>>
    %dma_start3A_15 = tpu.memref_slice %arg11[%dma_start3A_12] : memref<8x!tpu.dma_semaphore, #tpu.memory_space<semaphore_mem>> -> memref<1x!tpu.dma_semaphore, #tpu.memory_space<semaphore_mem>>
    %dma_start3A_16 = tpu.memref_squeeze %dma_start3A_15 : memref<1x!tpu.dma_semaphore, #tpu.memory_space<semaphore_mem>> -> memref<!tpu.dma_semaphore, #tpu.memory_space<semaphore_mem>>
    %dma_start3A_17 = arith.constant 0 : i32
    %dma_start3A_18 = tpu.memref_slice %arg3[%dma_start3A_17, %min3A_7] : memref<16x100000xi32, #tpu.memory_space<hbm>> -> memref<16x3328xi32, #tpu.memory_space<hbm>>
    tpu.enqueue_dma source(%dma_start3A_18 : memref<16x3328xi32, #tpu.memory_space<hbm>>) target(%arg7 : memref<16x3328xi32, #tpu.memory_space<vmem>>) target_semaphore(%dma_start3A_16 : memref<!tpu.dma_semaphore, #tpu.memory_space<semaphore_mem>>)
    %dma_wait3A = arith.constant 0 : i32
    %dma_wait3A_19 = tpu.memref_slice %arg4[%min3A_3] : memref<100000xi32, #tpu.memory_space<hbm>> -> memref<3200xi32, #tpu.memory_space<hbm>>
    %dma_wait3A_20 = tpu.memref_slice %arg11[%dma_wait3A] : memref<8x!tpu.dma_semaphore, #tpu.memory_space<semaphore_mem>> -> memref<1x!tpu.dma_semaphore, #tpu.memory_space<semaphore_mem>>
    %dma_wait3A_21 = tpu.memref_squeeze %dma_wait3A_20 : memref<1x!tpu.dma_semaphore, #tpu.memory_space<semaphore_mem>> -> memref<!tpu.dma_semaphore, #tpu.memory_space<semaphore_mem>>
    %dma_wait3A_22 = tpu.memref_slice %arg4[%min3A_3] : memref<100000xi32, #tpu.memory_space<hbm>> -> memref<3200xi32, #tpu.memory_space<hbm>>
    tpu.wait_dma2 semaphore(%dma_wait3A_21 : memref<!tpu.dma_semaphore, #tpu.memory_space<semaphore_mem>>) src(%dma_wait3A_22 : memref<3200xi32, #tpu.memory_space<hbm>>) dst(%arg6 : memref<3200xi32, #tpu.memory_space<vmem>>)
    %dma_wait3A_23 = arith.constant 1 : i32
    %dma_wait3A_24 = arith.constant 0 : i32
    %dma_wait3A_25 = tpu.memref_slice %arg3[%dma_wait3A_24, %min3A_7] : memref<16x100000xi32, #tpu.memory_space<hbm>> -> memref<16x3328xi32, #tpu.memory_space<hbm>>
    %dma_wait3A_26 = tpu.memref_slice %arg11[%dma_wait3A_23] : memref<8x!tpu.dma_semaphore, #tpu.memory_space<semaphore_mem>> -> memref<1x!tpu.dma_semaphore, #tpu.memory_space<semaphore_mem>>
    %dma_wait3A_27 = tpu.memref_squeeze %dma_wait3A_26 : memref<1x!tpu.dma_semaphore, #tpu.memory_space<semaphore_mem>> -> memref<!tpu.dma_semaphore, #tpu.memory_space<semaphore_mem>>
    %dma_wait3A_28 = arith.constant 0 : i32
    %dma_wait3A_29 = tpu.memref_slice %arg3[%dma_wait3A_28, %min3A_7] : memref<16x100000xi32, #tpu.memory_space<hbm>> -> memref<16x3328xi32, #tpu.memory_space<hbm>>
    tpu.wait_dma2 semaphore(%dma_wait3A_27 : memref<!tpu.dma_semaphore, #tpu.memory_space<semaphore_mem>>) src(%dma_wait3A_29 : memref<16x3328xi32, #tpu.memory_space<hbm>>) dst(%arg7 : memref<16x3328xi32, #tpu.memory_space<vmem>>)
    %iota3A = tpu.iota {dimensions = array<i32: 0>} : vector<16xi32>
    %get3A = arith.constant 0 : index
    %get3A_30 = tpu.vector_load %arg6[%get3A] {strides = array<i32>} : memref<3200xi32, #tpu.memory_space<vmem>>, vector<16xi32>,
    %add3A_31 = arith.constant 0 : i32
    %add3A_32 = arith.addi %sub3A, %add3A_31 : i32
    %add3A_33 = vector.broadcast %add3A_32 : i32 to vector<16xi32>
    %add3A_34 = arith.addi %add3A_33, %iota3A : vector<16xi32>
    %gather3A = tpu.vector_load_idx %arg7[%get3A_30, %add3A_34] : memref<16x3328xi32, #tpu.memory_space<vmem>>[vector<16xi32>, vector<16xi32>], vector<16xi32>,
    %swap3A = arith.constant 0 : index
    %swap3A_35 = tpu.vector_load %arg8[%swap3A] {strides = array<i32>} : memref<3200xi32, #tpu.memory_space<vmem>>, vector<16xi32>,
    tpu.vector_store %arg8[%swap3A], %gather3A {strides = array<i32>} : memref<3200xi32, #tpu.memory_space<vmem>>, vector<16xi32>,
    %get3A_36 = arith.constant 16 : index
    %get3A_37 = tpu.vector_load %arg6[%get3A_36] {strides = array<i32>} : memref<3200xi32, #tpu.memory_space<vmem>>, vector<16xi32>,
    %add3A_38 = arith.constant 16 : i32
    %add3A_39 = arith.addi %sub3A, %add3A_38 : i32
    %add3A_40 = vector.broadcast %add3A_39 : i32 to vector<16xi32>
    %add3A_41 = arith.addi %add3A_40, %iota3A : vector<16xi32>
    %gather3A_42 = tpu.vector_load_idx %arg7[%get3A_37, %add3A_41] : memref<16x3328xi32, #tpu.memory_space<vmem>>[vector<16xi32>, vector<16xi32>], vector<16xi32>,
    %swap3A_43 = arith.constant 16 : index
    %swap3A_44 = tpu.vector_load %arg8[%swap3A_43] {strides = array<i32>} : memref<3200xi32, #tpu.memory_space<vmem>>, vector<16xi32>,
    tpu.vector_store %arg8[%swap3A_43], %gather3A_42 {strides = array<i32>} : memref<3200xi32, #tpu.memory_space<vmem>>, vector<16xi32>,
    %get3A_45 = arith.constant 32 : index
    %get3A_46 = tpu.vector_load %arg6[%get3A_45] {strides = array<i32>} : memref<3200xi32, #tpu.memory_space<vmem>>, vector<16xi32>,
    %add3A_47 = arith.constant 32 : i32
    %add3A_48 = arith.addi %sub3A, %add3A_47 : i32
    %add3A_49 = vector.broadcast %add3A_48 : i32 to vector<16xi32>
    %add3A_50 = arith.addi %add3A_49, %iota3A : vector<16xi32>
    %gather3A_51 = tpu.vector_load_idx %arg7[%get3A_46, %add3A_50] : memref<16x3328xi32, #tpu.memory_space<vmem>>[vector<16xi32>, vector<16xi32>], vector<16xi32>,
    %swap3A_52 = arith.constant 32 : index
    %swap3A_53 = tpu.vector_load %arg8[%swap3A_52] {strides = array<i32>} : memref<3200xi32, #tpu.memory_space<vmem>>, vector<16xi32>,
    tpu.vector_store %arg8[%swap3A_52], %gather3A_51 {strides = array<i32>} : memref<3200xi32, #tpu.memory_space<vmem>>, vector<16xi32>,
    %get3A_54 = arith.constant 48 : index
    %get3A_55 = tpu.vector_load %arg6[%get3A_54] {strides = array<i32>} : memref<3200xi32, #tpu.memory_space<vmem>>, vector<16xi32>,
    %add3A_56 = arith.constant 48 : i32
    %add3A_57 = arith.addi %sub3A, %add3A_56 : i32
    %add3A_58 = vector.broadcast %add3A_57 : i32 to vector<16xi32>
    %add3A_59 = arith.addi %add3A_58, %iota3A : vector<16xi32>
    %gather3A_60 = tpu.vector_load_idx %arg7[%get3A_55, %add3A_59] : memref<16x3328xi32, #tpu.memory_space<vmem>>[vector<16xi32>, vector<16xi32>], vector<16xi32>,
    %swap3A_61 = arith.constant 48 : index
    %swap3A_62 = tpu.vector_load %arg8[%swap3A_61] {strides = array<i32>} : memref<3200xi32, #tpu.memory_space<vmem>>, vector<16xi32>,
    tpu.vector_store %arg8[%swap3A_61], %gather3A_60 {strides = array<i32>} : memref<3200xi32, #tpu.memory_space<vmem>>, vector<16xi32>,
    %dma_start3A_63 = arith.constant 0 : i32
    %dma_start3A_64 = arith.constant 0 : i32
    %dma_start3A_65 = arith.constant 0 : i32
    %dma_start3A_66 = arith.constant 0 : i32
    %dma_start3A_67 = tpu.memref_slice %arg9[%dma_start3A_63, %dma_start3A_65, %dma_start3A_66] : memref<8x64x128xf32, #tpu.memory_space<vmem>> -> memref<1x64x128xf32, #tpu.memory_space<vmem>>
    %dma_start3A_68 = tpu.memref_squeeze %dma_start3A_67 : memref<1x64x128xf32, #tpu.memory_space<vmem>> -> memref<64x128xf32, #tpu.memory_space<vmem>>
    %dma_start3A_69 = arith.constant 0 : i32
    %dma_start3A_70 = tpu.memref_slice %arg8[%dma_start3A_69] : memref<3200xi32, #tpu.memory_space<vmem>> -> memref<64xi32, #tpu.memory_space<vmem>>
    %dma_start3A_71 = arith.constant 0 : i32
    %dma_start3A_72 = arith.constant 0 : i32
    %dma_start3A_73 = tpu.memref_slice %arg2[%dma_start3A_71, %dma_start3A_72] : memref<100000x128xf32, #tpu.memory_space<hbm>> -> memref<100000x128xf32, #tpu.memory_space<hbm>>
    %dma_start3A_74 = tpu.memref_slice %arg10[%dma_start3A_64] : memref<8x!tpu.dma_semaphore, #tpu.memory_space<semaphore_mem>> -> memref<1x!tpu.dma_semaphore, #tpu.memory_space<semaphore_mem>>
    %dma_start3A_75 = tpu.memref_squeeze %dma_start3A_74 : memref<1x!tpu.dma_semaphore, #tpu.memory_space<semaphore_mem>> -> memref<!tpu.dma_semaphore, #tpu.memory_space<semaphore_mem>>
    tpu.enqueue_indirect_dma source(%dma_start3A_73 : memref<100000x128xf32, #tpu.memory_space<hbm>>) target(%dma_start3A_68 : memref<64x128xf32, #tpu.memory_space<vmem>>) offsets(%dma_start3A_70 : memref<64xi32, #tpu.memory_space<vmem>>) semaphore(%dma_start3A_75 : memref<!tpu.dma_semaphore, #tpu.memory_space<semaphore_mem>>)
    %get3A_76 = arith.constant 64 : index
    %get3A_77 = tpu.vector_load %arg6[%get3A_76] {strides = array<i32>} : memref<3200xi32, #tpu.memory_space<vmem>>, vector<16xi32>,
    %add3A_78 = arith.constant 64 : i32
    %add3A_79 = arith.addi %sub3A, %add3A_78 : i32
    %add3A_80 = vector.broadcast %add3A_79 : i32 to vector<16xi32>
    %add3A_81 = arith.addi %add3A_80, %iota3A : vector<16xi32>
    %gather3A_82 = tpu.vector_load_idx %arg7[%get3A_77, %add3A_81] : memref<16x3328xi32, #tpu.memory_space<vmem>>[vector<16xi32>, vector<16xi32>], vector<16xi32>,
    %swap3A_83 = arith.constant 64 : index
    %swap3A_84 = tpu.vector_load %arg8[%swap3A_83] {strides = array<i32>} : memref<3200xi32, #tpu.memory_space<vmem>>, vector<16xi32>,
    tpu.vector_store %arg8[%swap3A_83], %gather3A_82 {strides = array<i32>} : memref<3200xi32, #tpu.memory_space<vmem>>, vector<16xi32>,
    %get3A_85 = arith.constant 80 : index
    %get3A_86 = tpu.vector_load %arg6[%get3A_85] {strides = array<i32>} : memref<3200xi32, #tpu.memory_space<vmem>>, vector<16xi32>,
    %add3A_87 = arith.constant 80 : i32
    %add3A_88 = arith.addi %sub3A, %add3A_87 : i32
    %add3A_89 = vector.broadcast %add3A_88 : i32 to vector<16xi32>
    %add3A_90 = arith.addi %add3A_89, %iota3A : vector<16xi32>
    %gather3A_91 = tpu.vector_load_idx %arg7[%get3A_86, %add3A_90] : memref<16x3328xi32, #tpu.memory_space<vmem>>[vector<16xi32>, vector<16xi32>], vector<16xi32>,
    %swap3A_92 = arith.constant 80 : index
    %swap3A_93 = tpu.vector_load %arg8[%swap3A_92] {strides = array<i32>} : memref<3200xi32, #tpu.memory_space<vmem>>, vector<16xi32>,
    tpu.vector_store %arg8[%swap3A_92], %gather3A_91 {strides = array<i32>} : memref<3200xi32, #tpu.memory_space<vmem>>, vector<16xi32>,
    %get3A_94 = arith.constant 96 : index
    %get3A_95 = tpu.vector_load %arg6[%get3A_94] {strides = array<i32>} : memref<3200xi32, #tpu.memory_space<vmem>>, vector<16xi32>,
    %add3A_96 = arith.constant 96 : i32
    %add3A_97 = arith.addi %sub3A, %add3A_96 : i32
    %add3A_98 = vector.broadcast %add3A_97 : i32 to vector<16xi32>
    %add3A_99 = arith.addi %add3A_98, %iota3A : vector<16xi32>
    %gather3A_100 = tpu.vector_load_idx %arg7[%get3A_95, %add3A_99] : memref<16x3328xi32, #tpu.memory_space<vmem>>[vector<16xi32>, vector<16xi32>], vector<16xi32>,
    %swap3A_101 = arith.constant 96 : index
    %swap3A_102 = tpu.vector_load %arg8[%swap3A_101] {strides = array<i32>} : memref<3200xi32, #tpu.memory_space<vmem>>, vector<16xi32>,
    tpu.vector_store %arg8[%swap3A_101], %gather3A_100 {strides = array<i32>} : memref<3200xi32, #tpu.memory_space<vmem>>, vector<16xi32>,
    %get3A_103 = arith.constant 112 : index
    %get3A_104 = tpu.vector_load %arg6[%get3A_103] {strides = array<i32>} : memref<3200xi32, #tpu.memory_space<vmem>>, vector<16xi32>,
    %add3A_105 = arith.constant 112 : i32
    %add3A_106 = arith.addi %sub3A, %add3A_105 : i32
    %add3A_107 = vector.broadcast %add3A_106 : i32 to vector<16xi32>
    %add3A_108 = arith.addi %add3A_107, %iota3A : vector<16xi32>
    %gather3A_109 = tpu.vector_load_idx %arg7[%get3A_104, %add3A_108] : memref<16x3328xi32, #tpu.memory_space<vmem>>[vector<16xi32>, vector<16xi32>], vector<16xi32>,
    %swap3A_110 = arith.constant 112 : index
    %swap3A_111 = tpu.vector_load %arg8[%swap3A_110] {strides = array<i32>} : memref<3200xi32, #tpu.memory_space<vmem>>, vector<16xi32>,
    tpu.vector_store %arg8[%swap3A_110], %gather3A_109 {strides = array<i32>} : memref<3200xi32, #tpu.memory_space<vmem>>, vector<16xi32>,
    %dma_start3A_112 = arith.constant 1 : i32
    %dma_start3A_113 = arith.constant 1 : i32
    %dma_start3A_114 = arith.constant 0 : i32
    %dma_start3A_115 = arith.constant 0 : i32
    %dma_start3A_116 = tpu.memref_slice %arg9[%dma_start3A_112, %dma_start3A_114, %dma_start3A_115] : memref<8x64x128xf32, #tpu.memory_space<vmem>> -> memref<1x64x128xf32, #tpu.memory_space<vmem>>
    %dma_start3A_117 = tpu.memref_squeeze %dma_start3A_116 : memref<1x64x128xf32, #tpu.memory_space<vmem>> -> memref<64x128xf32, #tpu.memory_space<vmem>>
    %dma_start3A_118 = arith.constant 64 : i32
    %dma_start3A_119 = tpu.memref_slice %arg8[%dma_start3A_118] : memref<3200xi32, #tpu.memory_space<vmem>> -> memref<64xi32, #tpu.memory_space<vmem>>
    %dma_start3A_120 = arith.constant 0 : i32
    %dma_start3A_121 = arith.constant 0 : i32
    %dma_start3A_122 = tpu.memref_slice %arg2[%dma_start3A_120, %dma_start3A_121] : memref<100000x128xf32, #tpu.memory_space<hbm>> -> memref<100000x128xf32, #tpu.memory_space<hbm>>
    %dma_start3A_123 = tpu.memref_slice %arg10[%dma_start3A_113] : memref<8x!tpu.dma_semaphore, #tpu.memory_space<semaphore_mem>> -> memref<1x!tpu.dma_semaphore, #tpu.memory_space<semaphore_mem>>
    %dma_start3A_124 = tpu.memref_squeeze %dma_start3A_123 : memref<1x!tpu.dma_semaphore, #tpu.memory_space<semaphore_mem>> -> memref<!tpu.dma_semaphore, #tpu.memory_space<semaphore_mem>>
    tpu.enqueue_indirect_dma source(%dma_start3A_122 : memref<100000x128xf32, #tpu.memory_space<hbm>>) target(%dma_start3A_117 : memref<64x128xf32, #tpu.memory_space<vmem>>) offsets(%dma_start3A_119 : memref<64xi32, #tpu.memory_space<vmem>>) semaphore(%dma_start3A_124 : memref<!tpu.dma_semaphore, #tpu.memory_space<semaphore_mem>>)
    %get3A_125 = arith.constant 128 : index
    %get3A_126 = tpu.vector_load %arg6[%get3A_125] {strides = array<i32>} : memref<3200xi32, #tpu.memory_space<vmem>>, vector<16xi32>,
    %add3A_127 = arith.constant 128 : i32
    %add3A_128 = arith.addi %sub3A, %add3A_127 : i32
    %add3A_129 = vector.broadcast %add3A_128 : i32 to vector<16xi32>
    %add3A_130 = arith.addi %add3A_129, %iota3A : vector<16xi32>
    %gather3A_131 = tpu.vector_load_idx %arg7[%get3A_126, %add3A_130] : memref<16x3328xi32, #tpu.memory_space<vmem>>[vector<16xi32>, vector<16xi32>], vector<16xi32>,
    %swap3A_132 = arith.constant 128 : index
    %swap3A_133 = tpu.vector_load %arg8[%swap3A_132] {strides = array<i32>} : memref<3200xi32, #tpu.memory_space<vmem>>, vector<16xi32>,
    tpu.vector_store %arg8[%swap3A_132], %gather3A_131 {strides = array<i32>} : memref<3200xi32, #tpu.memory_space<vmem>>, vector<16xi32>,
    %get3A_134 = arith.constant 144 : index
    %get3A_135 = tpu.vector_load %arg6[%get3A_134] {strides = array<i32>} : memref<3200xi32, #tpu.memory_space<vmem>>, vector<16xi32>,
    %add3A_136 = arith.constant 144 : i32
    %add3A_137 = arith.addi %sub3A, %add3A_136 : i32
    %add3A_138 = vector.broadcast %add3A_137 : i32 to vector<16xi32>
    %add3A_139 = arith.addi %add3A_138, %iota3A : vector<16xi32>
    %gather3A_140 = tpu.vector_load_idx %arg7[%get3A_135, %add3A_139] : memref<16x3328xi32, #tpu.memory_space<vmem>>[vector<16xi32>, vector<16xi32>], vector<16xi32>,
    %swap3A_141 = arith.constant 144 : index
    %swap3A_142 = tpu.vector_load %arg8[%swap3A_141] {strides = array<i32>} : memref<3200xi32, #tpu.memory_space<vmem>>, vector<16xi32>,
    tpu.vector_store %arg8[%swap3A_141], %gather3A_140 {strides = array<i32>} : memref<3200xi32, #tpu.memory_space<vmem>>, vector<16xi32>,
    %get3A_143 = arith.constant 160 : index
    %get3A_144 = tpu.vector_load %arg6[%get3A_143] {strides = array<i32>} : memref<3200xi32, #tpu.memory_space<vmem>>, vector<16xi32>,
    %add3A_145 = arith.constant 160 : i32
    %add3A_146 = arith.addi %sub3A, %add3A_145 : i32
    %add3A_147 = vector.broadcast %add3A_146 : i32 to vector<16xi32>
    %add3A_148 = arith.addi %add3A_147, %iota3A : vector<16xi32>
    %gather3A_149 = tpu.vector_load_idx %arg7[%get3A_144, %add3A_148] : memref<16x3328xi32, #tpu.memory_space<vmem>>[vector<16xi32>, vector<16xi32>], vector<16xi32>,
    %swap3A_150 = arith.constant 160 : index
    %swap3A_151 = tpu.vector_load %arg8[%swap3A_150] {strides = array<i32>} : memref<3200xi32, #tpu.memory_space<vmem>>, vector<16xi32>,
    tpu.vector_store %arg8[%swap3A_150], %gather3A_149 {strides = array<i32>} : memref<3200xi32, #tpu.memory_space<vmem>>, vector<16xi32>,
    %get3A_152 = arith.constant 176 : index
    %get3A_153 = tpu.vector_load %arg6[%get3A_152] {strides = array<i32>} : memref<3200xi32, #tpu.memory_space<vmem>>, vector<16xi32>,
    %add3A_154 = arith.constant 176 : i32
    %add3A_155 = arith.addi %sub3A, %add3A_154 : i32
    %add3A_156 = vector.broadcast %add3A_155 : i32 to vector<16xi32>
    %add3A_157 = arith.addi %add3A_156, %iota3A : vector<16xi32>
    %gather3A_158 = tpu.vector_load_idx %arg7[%get3A_153, %add3A_157] : memref<16x3328xi32, #tpu.memory_space<vmem>>[vector<16xi32>, vector<16xi32>], vector<16xi32>,
    %swap3A_159 = arith.constant 176 : index
    %swap3A_160 = tpu.vector_load %arg8[%swap3A_159] {strides = array<i32>} : memref<3200xi32, #tpu.memory_space<vmem>>, vector<16xi32>,
    tpu.vector_store %arg8[%swap3A_159], %gather3A_158 {strides = array<i32>} : memref<3200xi32, #tpu.memory_space<vmem>>, vector<16xi32>,
    %dma_start3A_161 = arith.constant 2 : i32
    %dma_start3A_162 = arith.constant 2 : i32
    %dma_start3A_163 = arith.constant 0 : i32
    %dma_start3A_164 = arith.constant 0 : i32
    %dma_start3A_165 = tpu.memref_slice %arg9[%dma_start3A_161, %dma_start3A_163, %dma_start3A_164] : memref<8x64x128xf32, #tpu.memory_space<vmem>> -> memref<1x64x128xf32, #tpu.memory_space<vmem>>
    %dma_start3A_166 = tpu.memref_squeeze %dma_start3A_165 : memref<1x64x128xf32, #tpu.memory_space<vmem>> -> memref<64x128xf32, #tpu.memory_space<vmem>>
    %dma_start3A_167 = arith.constant 128 : i32
    %dma_start3A_168 = tpu.memref_slice %arg8[%dma_start3A_167] : memref<3200xi32, #tpu.memory_space<vmem>> -> memref<64xi32, #tpu.memory_space<vmem>>
    %dma_start3A_169 = arith.constant 0 : i32
    %dma_start3A_170 = arith.constant 0 : i32
    %dma_start3A_171 = tpu.memref_slice %arg2[%dma_start3A_169, %dma_start3A_170] : memref<100000x128xf32, #tpu.memory_space<hbm>> -> memref<100000x128xf32, #tpu.memory_space<hbm>>
    %dma_start3A_172 = tpu.memref_slice %arg10[%dma_start3A_162] : memref<8x!tpu.dma_semaphore, #tpu.memory_space<semaphore_mem>> -> memref<1x!tpu.dma_semaphore, #tpu.memory_space<semaphore_mem>>
    %dma_start3A_173 = tpu.memref_squeeze %dma_start3A_172 : memref<1x!tpu.dma_semaphore, #tpu.memory_space<semaphore_mem>> -> memref<!tpu.dma_semaphore, #tpu.memory_space<semaphore_mem>>
    tpu.enqueue_indirect_dma source(%dma_start3A_171 : memref<100000x128xf32, #tpu.memory_space<hbm>>) target(%dma_start3A_166 : memref<64x128xf32, #tpu.memory_space<vmem>>) offsets(%dma_start3A_168 : memref<64xi32, #tpu.memory_space<vmem>>) semaphore(%dma_start3A_173 : memref<!tpu.dma_semaphore, #tpu.memory_space<semaphore_mem>>)
    %get3A_174 = arith.constant 192 : index
    %get3A_175 = tpu.vector_load %arg6[%get3A_174] {strides = array<i32>} : memref<3200xi32, #tpu.memory_space<vmem>>, vector<16xi32>,
    %add3A_176 = arith.constant 192 : i32
    %add3A_177 = arith.addi %sub3A, %add3A_176 : i32
    %add3A_178 = vector.broadcast %add3A_177 : i32 to vector<16xi32>
    %add3A_179 = arith.addi %add3A_178, %iota3A : vector<16xi32>
    %gather3A_180 = tpu.vector_load_idx %arg7[%get3A_175, %add3A_179] : memref<16x3328xi32, #tpu.memory_space<vmem>>[vector<16xi32>, vector<16xi32>], vector<16xi32>,
    %swap3A_181 = arith.constant 192 : index
    %swap3A_182 = tpu.vector_load %arg8[%swap3A_181] {strides = array<i32>} : memref<3200xi32, #tpu.memory_space<vmem>>, vector<16xi32>,
    tpu.vector_store %arg8[%swap3A_181], %gather3A_180 {strides = array<i32>} : memref<3200xi32, #tpu.memory_space<vmem>>, vector<16xi32>,
    %get3A_183 = arith.constant 208 : index
    %get3A_184 = tpu.vector_load %arg6[%get3A_183] {strides = array<i32>} : memref<3200xi32, #tpu.memory_space<vmem>>, vector<16xi32>,
    %add3A_185 = arith.constant 208 : i32
    %add3A_186 = arith.addi %sub3A, %add3A_185 : i32
    %add3A_187 = vector.broadcast %add3A_186 : i32 to vector<16xi32>
    %add3A_188 = arith.addi %add3A_187, %iota3A : vector<16xi32>
    %gather3A_189 = tpu.vector_load_idx %arg7[%get3A_184, %add3A_188] : memref<16x3328xi32, #tpu.memory_space<vmem>>[vector<16xi32>, vector<16xi32>], vector<16xi32>,
    %swap3A_190 = arith.constant 208 : index
    %swap3A_191 = tpu.vector_load %arg8[%swap3A_190] {strides = array<i32>} : memref<3200xi32, #tpu.memory_space<vmem>>, vector<16xi32>,
    tpu.vector_store %arg8[%swap3A_190], %gather3A_189 {strides = array<i32>} : memref<3200xi32, #tpu.memory_space<vmem>>, vector<16xi32>,
    %get3A_192 = arith.constant 224 : index
    %get3A_193 = tpu.vector_load %arg6[%get3A_192] {strides = array<i32>} : memref<3200xi32, #tpu.memory_space<vmem>>, vector<16xi32>,
    %add3A_194 = arith.constant 224 : i32
    %add3A_195 = arith.addi %sub3A, %add3A_194 : i32
    %add3A_196 = vector.broadcast %add3A_195 : i32 to vector<16xi32>
    %add3A_197 = arith.addi %add3A_196, %iota3A : vector<16xi32>
    %gather3A_198 = tpu.vector_load_idx %arg7[%get3A_193, %add3A_197] : memref<16x3328xi32, #tpu.memory_space<vmem>>[vector<16xi32>, vector<16xi32>], vector<16xi32>,
    %swap3A_199 = arith.constant 224 : index
    %swap3A_200 = tpu.vector_load %arg8[%swap3A_199] {strides = array<i32>} : memref<3200xi32, #tpu.memory_space<vmem>>, vector<16xi32>,
    tpu.vector_store %arg8[%swap3A_199], %gather3A_198 {strides = array<i32>} : memref<3200xi32, #tpu.memory_space<vmem>>, vector<16xi32>,
    %get3A_201 = arith.constant 240 : index
    %get3A_202 = tpu.vector_load %arg6[%get3A_201] {strides = array<i32>} : memref<3200xi32, #tpu.memory_space<vmem>>, vector<16xi32>,
    %add3A_203 = arith.constant 240 : i32
    %add3A_204 = arith.addi %sub3A, %add3A_203 : i32
    %add3A_205 = vector.broadcast %add3A_204 : i32 to vector<16xi32>
    %add3A_206 = arith.addi %add3A_205, %iota3A : vector<16xi32>
    %gather3A_207 = tpu.vector_load_idx %arg7[%get3A_202, %add3A_206] : memref<16x3328xi32, #tpu.memory_space<vmem>>[vector<16xi32>, vector<16xi32>], vector<16xi32>,
    %swap3A_208 = arith.constant 240 : index
    %swap3A_209 = tpu.vector_load %arg8[%swap3A_208] {strides = array<i32>} : memref<3200xi32, #tpu.memory_space<vmem>>, vector<16xi32>,
    tpu.vector_store %arg8[%swap3A_208], %gather3A_207 {strides = array<i32>} : memref<3200xi32, #tpu.memory_space<vmem>>, vector<16xi32>,
    %dma_start3A_210 = arith.constant 3 : i32
    %dma_start3A_211 = arith.constant 3 : i32
    %dma_start3A_212 = arith.constant 0 : i32
    %dma_start3A_213 = arith.constant 0 : i32
    %dma_start3A_214 = tpu.memref_slice %arg9[%dma_start3A_210, %dma_start3A_212, %dma_start3A_213] : memref<8x64x128xf32, #tpu.memory_space<vmem>> -> memref<1x64x128xf32, #tpu.memory_space<vmem>>
    %dma_start3A_215 = tpu.memref_squeeze %dma_start3A_214 : memref<1x64x128xf32, #tpu.memory_space<vmem>> -> memref<64x128xf32, #tpu.memory_space<vmem>>
    %dma_start3A_216 = arith.constant 192 : i32
    %dma_start3A_217 = tpu.memref_slice %arg8[%dma_start3A_216] : memref<3200xi32, #tpu.memory_space<vmem>> -> memref<64xi32, #tpu.memory_space<vmem>>
    %dma_start3A_218 = arith.constant 0 : i32
    %dma_start3A_219 = arith.constant 0 : i32
    %dma_start3A_220 = tpu.memref_slice %arg2[%dma_start3A_218, %dma_start3A_219] : memref<100000x128xf32, #tpu.memory_space<hbm>> -> memref<100000x128xf32, #tpu.memory_space<hbm>>
    %dma_start3A_221 = tpu.memref_slice %arg10[%dma_start3A_211] : memref<8x!tpu.dma_semaphore, #tpu.memory_space<semaphore_mem>> -> memref<1x!tpu.dma_semaphore, #tpu.memory_space<semaphore_mem>>
    %dma_start3A_222 = tpu.memref_squeeze %dma_start3A_221 : memref<1x!tpu.dma_semaphore, #tpu.memory_space<semaphore_mem>> -> memref<!tpu.dma_semaphore, #tpu.memory_space<semaphore_mem>>
    tpu.enqueue_indirect_dma source(%dma_start3A_220 : memref<100000x128xf32, #tpu.memory_space<hbm>>) target(%dma_start3A_215 : memref<64x128xf32, #tpu.memory_space<vmem>>) offsets(%dma_start3A_217 : memref<64xi32, #tpu.memory_space<vmem>>) semaphore(%dma_start3A_222 : memref<!tpu.dma_semaphore, #tpu.memory_space<semaphore_mem>>)
    %get3A_223 = arith.constant 256 : index
    %get3A_224 = tpu.vector_load %arg6[%get3A_223] {strides = array<i32>} : memref<3200xi32, #tpu.memory_space<vmem>>, vector<16xi32>,
    %add3A_225 = arith.constant 256 : i32
    %add3A_226 = arith.addi %sub3A, %add3A_225 : i32
    %add3A_227 = vector.broadcast %add3A_226 : i32 to vector<16xi32>
    %add3A_228 = arith.addi %add3A_227, %iota3A : vector<16xi32>
    %gather3A_229 = tpu.vector_load_idx %arg7[%get3A_224, %add3A_228] : memref<16x3328xi32, #tpu.memory_space<vmem>>[vector<16xi32>, vector<16xi32>], vector<16xi32>,
    %swap3A_230 = arith.constant 256 : index
    %swap3A_231 = tpu.vector_load %arg8[%swap3A_230] {strides = array<i32>} : memref<3200xi32, #tpu.memory_space<vmem>>, vector<16xi32>,
    tpu.vector_store %arg8[%swap3A_230], %gather3A_229 {strides = array<i32>} : memref<3200xi32, #tpu.memory_space<vmem>>, vector<16xi32>,
    %get3A_232 = arith.constant 272 : index
    %get3A_233 = tpu.vector_load %arg6[%get3A_232] {strides = array<i32>} : memref<3200xi32, #tpu.memory_space<vmem>>, vector<16xi32>,
    %add3A_234 = arith.constant 272 : i32
    %add3A_235 = arith.addi %sub3A, %add3A_234 : i32
    %add3A_236 = vector.broadcast %add3A_235 : i32 to vector<16xi32>
    %add3A_237 = arith.addi %add3A_236, %iota3A : vector<16xi32>
    %gather3A_238 = tpu.vector_load_idx %arg7[%get3A_233, %add3A_237] : memref<16x3328xi32, #tpu.memory_space<vmem>>[vector<16xi32>, vector<16xi32>], vector<16xi32>,
    %swap3A_239 = arith.constant 272 : index
    %swap3A_240 = tpu.vector_load %arg8[%swap3A_239] {strides = array<i32>} : memref<3200xi32, #tpu.memory_space<vmem>>, vector<16xi32>,
    tpu.vector_store %arg8[%swap3A_239], %gather3A_238 {strides = array<i32>} : memref<3200xi32, #tpu.memory_space<vmem>>, vector<16xi32>,
    %get3A_241 = arith.constant 288 : index
    %get3A_242 = tpu.vector_load %arg6[%get3A_241] {strides = array<i32>} : memref<3200xi32, #tpu.memory_space<vmem>>, vector<16xi32>,
    %add3A_243 = arith.constant 288 : i32
    %add3A_244 = arith.addi %sub3A, %add3A_243 : i32
    %add3A_245 = vector.broadcast %add3A_244 : i32 to vector<16xi32>
    %add3A_246 = arith.addi %add3A_245, %iota3A : vector<16xi32>
    %gather3A_247 = tpu.vector_load_idx %arg7[%get3A_242, %add3A_246] : memref<16x3328xi32, #tpu.memory_space<vmem>>[vector<16xi32>, vector<16xi32>], vector<16xi32>,
    %swap3A_248 = arith.constant 288 : index
    %swap3A_249 = tpu.vector_load %arg8[%swap3A_248] {strides = array<i32>} : memref<3200xi32, #tpu.memory_space<vmem>>, vector<16xi32>,
    tpu.vector_store %arg8[%swap3A_248], %gather3A_247 {strides = array<i32>} : memref<3200xi32, #tpu.memory_space<vmem>>, vector<16xi32>,
    %get3A_250 = arith.constant 304 : index
    %get3A_251 = tpu.vector_load %arg6[%get3A_250] {strides = array<i32>} : memref<3200xi32, #tpu.memory_space<vmem>>, vector<16xi32>,
    %add3A_252 = arith.constant 304 : i32
    %add3A_253 = arith.addi %sub3A, %add3A_252 : i32
    %add3A_254 = vector.broadcast %add3A_253 : i32 to vector<16xi32>
    %add3A_255 = arith.addi %add3A_254, %iota3A : vector<16xi32>
    %gather3A_256 = tpu.vector_load_idx %arg7[%get3A_251, %add3A_255] : memref<16x3328xi32, #tpu.memory_space<vmem>>[vector<16xi32>, vector<16xi32>], vector<16xi32>,
    %swap3A_257 = arith.constant 304 : index
    %swap3A_258 = tpu.vector_load %arg8[%swap3A_257] {strides = array<i32>} : memref<3200xi32, #tpu.memory_space<vmem>>, vector<16xi32>,
    tpu.vector_store %arg8[%swap3A_257], %gather3A_256 {strides = array<i32>} : memref<3200xi32, #tpu.memory_space<vmem>>, vector<16xi32>,
    %dma_start3A_259 = arith.constant 4 : i32
    %dma_start3A_260 = arith.constant 4 : i32
    %dma_start3A_261 = arith.constant 0 : i32
    %dma_start3A_262 = arith.constant 0 : i32
    %dma_start3A_263 = tpu.memref_slice %arg9[%dma_start3A_259, %dma_start3A_261, %dma_start3A_262] : memref<8x64x128xf32, #tpu.memory_space<vmem>> -> memref<1x64x128xf32, #tpu.memory_space<vmem>>
    %dma_start3A_264 = tpu.memref_squeeze %dma_start3A_263 : memref<1x64x128xf32, #tpu.memory_space<vmem>> -> memref<64x128xf32, #tpu.memory_space<vmem>>
    %dma_start3A_265 = arith.constant 256 : i32
    %dma_start3A_266 = tpu.memref_slice %arg8[%dma_start3A_265] : memref<3200xi32, #tpu.memory_space<vmem>> -> memref<64xi32, #tpu.memory_space<vmem>>
    %dma_start3A_267 = arith.constant 0 : i32
    %dma_start3A_268 = arith.constant 0 : i32
    %dma_start3A_269 = tpu.memref_slice %arg2[%dma_start3A_267, %dma_start3A_268] : memref<100000x128xf32, #tpu.memory_space<hbm>> -> memref<100000x128xf32, #tpu.memory_space<hbm>>
    %dma_start3A_270 = tpu.memref_slice %arg10[%dma_start3A_260] : memref<8x!tpu.dma_semaphore, #tpu.memory_space<semaphore_mem>> -> memref<1x!tpu.dma_semaphore, #tpu.memory_space<semaphore_mem>>
    %dma_start3A_271 = tpu.memref_squeeze %dma_start3A_270 : memref<1x!tpu.dma_semaphore, #tpu.memory_space<semaphore_mem>> -> memref<!tpu.dma_semaphore, #tpu.memory_space<semaphore_mem>>
    tpu.enqueue_indirect_dma source(%dma_start3A_269 : memref<100000x128xf32, #tpu.memory_space<hbm>>) target(%dma_start3A_264 : memref<64x128xf32, #tpu.memory_space<vmem>>) offsets(%dma_start3A_266 : memref<64xi32, #tpu.memory_space<vmem>>) semaphore(%dma_start3A_271 : memref<!tpu.dma_semaphore, #tpu.memory_space<semaphore_mem>>)
    %scan3A = arith.constant 0 : i32
    %scan3A_272 = arith.constant 50 : i32
    %scan3A_273 = arith.addi %scan3A, %scan3A_272 : i32
    %scan3A_274 = arith.constant 1 : i32
    scf.for %scan3A_420 = %scan3A to %scan3A_273 step %scan3A_274  : i32 {
      %rem3A = arith.constant 8 : i32
      %rem3A_421 = arith.remsi %scan3A_420, %rem3A : i32
      %add3A_422 = arith.constant 5 : i32
      %add3A_423 = arith.addi %scan3A_420, %add3A_422 : i32
      %rem3A_424 = arith.constant 8 : i32
      %rem3A_425 = arith.remsi %add3A_423, %rem3A_424 : i32
      %mul3A_426 = arith.constant 64 : i32
      %mul3A_427 = arith.muli %scan3A_420, %mul3A_426 : i32
      %dma_wait3A_428 = arith.constant 0 : i32
      %dma_wait3A_429 = arith.constant 0 : i32
      %dma_wait3A_430 = tpu.memref_slice %arg9[%rem3A_421, %dma_wait3A_428, %dma_wait3A_429] : memref<8x64x128xf32, #tpu.memory_space<vmem>> -> memref<1x64x128xf32, #tpu.memory_space<vmem>>
      %dma_wait3A_431 = tpu.memref_squeeze %dma_wait3A_430 : memref<1x64x128xf32, #tpu.memory_space<vmem>> -> memref<64x128xf32, #tpu.memory_space<vmem>>
      %dma_wait3A_432 = tpu.memref_slice %arg8[%mul3A_427] : memref<3200xi32, #tpu.memory_space<vmem>> -> memref<64xi32, #tpu.memory_space<vmem>>
      %dma_wait3A_433 = arith.constant 0 : i32
      %dma_wait3A_434 = arith.constant 0 : i32
      %dma_wait3A_435 = tpu.memref_slice %arg2[%dma_wait3A_433, %dma_wait3A_434] : memref<100000x128xf32, #tpu.memory_space<hbm>> -> memref<100000x128xf32, #tpu.memory_space<hbm>>
      %dma_wait3A_436 = tpu.memref_slice %arg10[%rem3A_421] : memref<8x!tpu.dma_semaphore, #tpu.memory_space<semaphore_mem>> -> memref<1x!tpu.dma_semaphore, #tpu.memory_space<semaphore_mem>>
      %dma_wait3A_437 = tpu.memref_squeeze %dma_wait3A_436 : memref<1x!tpu.dma_semaphore, #tpu.memory_space<semaphore_mem>> -> memref<!tpu.dma_semaphore, #tpu.memory_space<semaphore_mem>>
      tpu.wait_indirect_dma semaphore(%dma_wait3A_437 : memref<!tpu.dma_semaphore, #tpu.memory_space<semaphore_mem>>) src(%dma_wait3A_435 : memref<100000x128xf32, #tpu.memory_space<hbm>>) dst(%dma_wait3A_431 : memref<64x128xf32, #tpu.memory_space<vmem>>)
      %mul3A_438 = arith.constant 64 : i32
      %mul3A_439 = arith.muli %scan3A_420, %mul3A_438 : i32
      %add3A_440 = arith.addi %min3A_3, %mul3A_439 : i32
      %dma_start3A_441 = arith.constant 0 : i32
      %dma_start3A_442 = arith.constant 0 : i32
      %dma_start3A_443 = tpu.memref_slice %arg9[%rem3A_421, %dma_start3A_441, %dma_start3A_442] : memref<8x64x128xf32, #tpu.memory_space<vmem>> -> memref<1x64x128xf32, #tpu.memory_space<vmem>>
      %dma_start3A_444 = tpu.memref_squeeze %dma_start3A_443 : memref<1x64x128xf32, #tpu.memory_space<vmem>> -> memref<64x128xf32, #tpu.memory_space<vmem>>
      %dma_start3A_445 = arith.constant 0 : i32
      %dma_start3A_446 = tpu.memref_slice %arg5[%add3A_440, %dma_start3A_445] : memref<100000x128xf32, #tpu.memory_space<hbm>> -> memref<64x128xf32, #tpu.memory_space<hbm>>
      %dma_start3A_447 = tpu.memref_slice %arg11[%rem3A_421] : memref<8x!tpu.dma_semaphore, #tpu.memory_space<semaphore_mem>> -> memref<1x!tpu.dma_semaphore, #tpu.memory_space<semaphore_mem>>
      %dma_start3A_448 = tpu.memref_squeeze %dma_start3A_447 : memref<1x!tpu.dma_semaphore, #tpu.memory_space<semaphore_mem>> -> memref<!tpu.dma_semaphore, #tpu.memory_space<semaphore_mem>>
      %dma_start3A_449 = arith.constant 0 : i32
      %dma_start3A_450 = tpu.memref_slice %arg5[%add3A_440, %dma_start3A_449] : memref<100000x128xf32, #tpu.memory_space<hbm>> -> memref<64x128xf32, #tpu.memory_space<hbm>>
      %dma_start3A_451 = arith.constant 0 : i32
      %dma_start3A_452 = arith.constant 0 : i32
      %dma_start3A_453 = tpu.memref_slice %arg9[%rem3A_421, %dma_start3A_451, %dma_start3A_452] : memref<8x64x128xf32, #tpu.memory_space<vmem>> -> memref<1x64x128xf32, #tpu.memory_space<vmem>>
      %dma_start3A_454 = tpu.memref_squeeze %dma_start3A_453 : memref<1x64x128xf32, #tpu.memory_space<vmem>> -> memref<64x128xf32, #tpu.memory_space<vmem>>
      tpu.enqueue_dma source(%dma_start3A_454 : memref<64x128xf32, #tpu.memory_space<vmem>>) target(%dma_start3A_450 : memref<64x128xf32, #tpu.memory_space<hbm>>) target_semaphore(%dma_start3A_448 : memref<!tpu.dma_semaphore, #tpu.memory_space<semaphore_mem>>)
      %lt3A = arith.constant 50 : i32
      %lt3A_455 = arith.cmpi slt, %add3A_423, %lt3A : i32
      %convert_element_type3A = arith.extui %lt3A_455 : i1 to i32
      %cond3A = arith.constant 0 : i32
      %cond3A_456 = arith.cmpi ne, %convert_element_type3A, %cond3A : i32
      scf.if %cond3A_456 {
        %mul3A_457 = arith.constant 4 : i32
        %mul3A_458 = arith.muli %add3A_423, %mul3A_457 : i32
        %add3A_459 = arith.constant 0 : i32
        %add3A_460 = arith.addi %mul3A_458, %add3A_459 : i32
        %mul3A_461 = arith.constant 16 : i32
        %mul3A_462 = arith.muli %add3A_460, %mul3A_461 : i32
        %get3A_463 = arith.index_cast %mul3A_462 : i32 to index
        %get3A_464 = tpu.vector_load %arg6[%get3A_463] {strides = array<i32>} : memref<3200xi32, #tpu.memory_space<vmem>>, vector<16xi32>,
        %mul3A_465 = arith.constant 16 : i32
        %mul3A_466 = arith.muli %add3A_460, %mul3A_465 : i32
        %add3A_467 = arith.addi %sub3A, %mul3A_466 : i32
        %add3A_468 = vector.broadcast %add3A_467 : i32 to vector<16xi32>
        %add3A_469 = arith.addi %add3A_468, %iota3A : vector<16xi32>
        %gather3A_470 = tpu.vector_load_idx %arg7[%get3A_464, %add3A_469] : memref<16x3328xi32, #tpu.memory_space<vmem>>[vector<16xi32>, vector<16xi32>], vector<16xi32>,
        %mul3A_471 = arith.constant 16 : i32
        %mul3A_472 = arith.muli %add3A_460, %mul3A_471 : i32
        %swap3A_473 = arith.index_cast %mul3A_472 : i32 to index
        %swap3A_474 = tpu.vector_load %arg8[%swap3A_473] {strides = array<i32>} : memref<3200xi32, #tpu.memory_space<vmem>>, vector<16xi32>,
        tpu.vector_store %arg8[%swap3A_473], %gather3A_470 {strides = array<i32>} : memref<3200xi32, #tpu.memory_space<vmem>>, vector<16xi32>,
        %mul3A_475 = arith.constant 4 : i32
        %mul3A_476 = arith.muli %add3A_423, %mul3A_475 : i32
        %add3A_477 = arith.constant 1 : i32
        %add3A_478 = arith.addi %mul3A_476, %add3A_477 : i32
        %mul3A_479 = arith.constant 16 : i32
        %mul3A_480 = arith.muli %add3A_478, %mul3A_479 : i32
        %get3A_481 = arith.index_cast %mul3A_480 : i32 to index
        %get3A_482 = tpu.vector_load %arg6[%get3A_481] {strides = array<i32>} : memref<3200xi32, #tpu.memory_space<vmem>>, vector<16xi32>,
        %mul3A_483 = arith.constant 16 : i32
        %mul3A_484 = arith.muli %add3A_478, %mul3A_483 : i32
        %add3A_485 = arith.addi %sub3A, %mul3A_484 : i32
        %add3A_486 = vector.broadcast %add3A_485 : i32 to vector<16xi32>
        %add3A_487 = arith.addi %add3A_486, %iota3A : vector<16xi32>
        %gather3A_488 = tpu.vector_load_idx %arg7[%get3A_482, %add3A_487] : memref<16x3328xi32, #tpu.memory_space<vmem>>[vector<16xi32>, vector<16xi32>], vector<16xi32>,
        %mul3A_489 = arith.constant 16 : i32
        %mul3A_490 = arith.muli %add3A_478, %mul3A_489 : i32
        %swap3A_491 = arith.index_cast %mul3A_490 : i32 to index
        %swap3A_492 = tpu.vector_load %arg8[%swap3A_491] {strides = array<i32>} : memref<3200xi32, #tpu.memory_space<vmem>>, vector<16xi32>,
        tpu.vector_store %arg8[%swap3A_491], %gather3A_488 {strides = array<i32>} : memref<3200xi32, #tpu.memory_space<vmem>>, vector<16xi32>,
        %mul3A_493 = arith.constant 4 : i32
        %mul3A_494 = arith.muli %add3A_423, %mul3A_493 : i32
        %add3A_495 = arith.constant 2 : i32
        %add3A_496 = arith.addi %mul3A_494, %add3A_495 : i32
        %mul3A_497 = arith.constant 16 : i32
        %mul3A_498 = arith.muli %add3A_496, %mul3A_497 : i32
        %get3A_499 = arith.index_cast %mul3A_498 : i32 to index
        %get3A_500 = tpu.vector_load %arg6[%get3A_499] {strides = array<i32>} : memref<3200xi32, #tpu.memory_space<vmem>>, vector<16xi32>,
        %mul3A_501 = arith.constant 16 : i32
        %mul3A_502 = arith.muli %add3A_496, %mul3A_501 : i32
        %add3A_503 = arith.addi %sub3A, %mul3A_502 : i32
        %add3A_504 = vector.broadcast %add3A_503 : i32 to vector<16xi32>
        %add3A_505 = arith.addi %add3A_504, %iota3A : vector<16xi32>
        %gather3A_506 = tpu.vector_load_idx %arg7[%get3A_500, %add3A_505] : memref<16x3328xi32, #tpu.memory_space<vmem>>[vector<16xi32>, vector<16xi32>], vector<16xi32>,
        %mul3A_507 = arith.constant 16 : i32
        %mul3A_508 = arith.muli %add3A_496, %mul3A_507 : i32
        %swap3A_509 = arith.index_cast %mul3A_508 : i32 to index
        %swap3A_510 = tpu.vector_load %arg8[%swap3A_509] {strides = array<i32>} : memref<3200xi32, #tpu.memory_space<vmem>>, vector<16xi32>,
        tpu.vector_store %arg8[%swap3A_509], %gather3A_506 {strides = array<i32>} : memref<3200xi32, #tpu.memory_space<vmem>>, vector<16xi32>,
        %mul3A_511 = arith.constant 4 : i32
        %mul3A_512 = arith.muli %add3A_423, %mul3A_511 : i32
        %add3A_513 = arith.constant 3 : i32
        %add3A_514 = arith.addi %mul3A_512, %add3A_513 : i32
        %mul3A_515 = arith.constant 16 : i32
        %mul3A_516 = arith.muli %add3A_514, %mul3A_515 : i32
        %get3A_517 = arith.index_cast %mul3A_516 : i32 to index
        %get3A_518 = tpu.vector_load %arg6[%get3A_517] {strides = array<i32>} : memref<3200xi32, #tpu.memory_space<vmem>>, vector<16xi32>,
        %mul3A_519 = arith.constant 16 : i32
        %mul3A_520 = arith.muli %add3A_514, %mul3A_519 : i32
        %add3A_521 = arith.addi %sub3A, %mul3A_520 : i32
        %add3A_522 = vector.broadcast %add3A_521 : i32 to vector<16xi32>
        %add3A_523 = arith.addi %add3A_522, %iota3A : vector<16xi32>
        %gather3A_524 = tpu.vector_load_idx %arg7[%get3A_518, %add3A_523] : memref<16x3328xi32, #tpu.memory_space<vmem>>[vector<16xi32>, vector<16xi32>], vector<16xi32>,
        %mul3A_525 = arith.constant 16 : i32
        %mul3A_526 = arith.muli %add3A_514, %mul3A_525 : i32
        %swap3A_527 = arith.index_cast %mul3A_526 : i32 to index
        %swap3A_528 = tpu.vector_load %arg8[%swap3A_527] {strides = array<i32>} : memref<3200xi32, #tpu.memory_space<vmem>>, vector<16xi32>,
        tpu.vector_store %arg8[%swap3A_527], %gather3A_524 {strides = array<i32>} : memref<3200xi32, #tpu.memory_space<vmem>>, vector<16xi32>,
        %sub3A_529 = arith.constant 8 : i32
        %sub3A_530 = arith.subi %add3A_423, %sub3A_529 : i32
        %ge3A = arith.constant 0 : i32
        %ge3A_531 = arith.cmpi sge, %sub3A_530, %ge3A : i32
        %convert_element_type3A_532 = arith.extui %ge3A_531 : i1 to i32
        %cond3A_533 = arith.constant 0 : i32
        %cond3A_534 = arith.cmpi ne, %convert_element_type3A_532, %cond3A_533 : i32
        scf.if %cond3A_534 {
          %sub3A_547 = arith.constant 8 : i32
          %sub3A_548 = arith.subi %add3A_423, %sub3A_547 : i32
          %mul3A_549 = arith.constant 64 : i32
          %mul3A_550 = arith.muli %sub3A_548, %mul3A_549 : i32
          %add3A_551 = arith.addi %min3A_3, %mul3A_550 : i32
          %dma_wait3A_552 = arith.constant 0 : i32
          %dma_wait3A_553 = arith.constant 0 : i32
          %dma_wait3A_554 = tpu.memref_slice %arg9[%rem3A_425, %dma_wait3A_552, %dma_wait3A_553] : memref<8x64x128xf32, #tpu.memory_space<vmem>> -> memref<1x64x128xf32, #tpu.memory_space<vmem>>
          %dma_wait3A_555 = tpu.memref_squeeze %dma_wait3A_554 : memref<1x64x128xf32, #tpu.memory_space<vmem>> -> memref<64x128xf32, #tpu.memory_space<vmem>>
          %dma_wait3A_556 = arith.constant 0 : i32
          %dma_wait3A_557 = tpu.memref_slice %arg5[%add3A_551, %dma_wait3A_556] : memref<100000x128xf32, #tpu.memory_space<hbm>> -> memref<64x128xf32, #tpu.memory_space<hbm>>
          %dma_wait3A_558 = tpu.memref_slice %arg11[%rem3A_425] : memref<8x!tpu.dma_semaphore, #tpu.memory_space<semaphore_mem>> -> memref<1x!tpu.dma_semaphore, #tpu.memory_space<semaphore_mem>>
          %dma_wait3A_559 = tpu.memref_squeeze %dma_wait3A_558 : memref<1x!tpu.dma_semaphore, #tpu.memory_space<semaphore_mem>> -> memref<!tpu.dma_semaphore, #tpu.memory_space<semaphore_mem>>
          %dma_wait3A_560 = arith.constant 0 : i32
          %dma_wait3A_561 = tpu.memref_slice %arg5[%add3A_551, %dma_wait3A_560] : memref<100000x128xf32, #tpu.memory_space<hbm>> -> memref<64x128xf32, #tpu.memory_space<hbm>>
          %dma_wait3A_562 = arith.constant 0 : i32
          %dma_wait3A_563 = arith.constant 0 : i32
          %dma_wait3A_564 = tpu.memref_slice %arg9[%rem3A_425, %dma_wait3A_562, %dma_wait3A_563] : memref<8x64x128xf32, #tpu.memory_space<vmem>> -> memref<1x64x128xf32, #tpu.memory_space<vmem>>
          %dma_wait3A_565 = tpu.memref_squeeze %dma_wait3A_564 : memref<1x64x128xf32, #tpu.memory_space<vmem>> -> memref<64x128xf32, #tpu.memory_space<vmem>>
          tpu.wait_dma2 semaphore(%dma_wait3A_559 : memref<!tpu.dma_semaphore, #tpu.memory_space<semaphore_mem>>) src(%dma_wait3A_565 : memref<64x128xf32, #tpu.memory_space<vmem>>) dst(%dma_wait3A_561 : memref<64x128xf32, #tpu.memory_space<hbm>>)
        } else {
        }
        %mul3A_535 = arith.constant 64 : i32
        %mul3A_536 = arith.muli %add3A_423, %mul3A_535 : i32
        %dma_start3A_537 = arith.constant 0 : i32
        %dma_start3A_538 = arith.constant 0 : i32
        %dma_start3A_539 = tpu.memref_slice %arg9[%rem3A_425, %dma_start3A_537, %dma_start3A_538] : memref<8x64x128xf32, #tpu.memory_space<vmem>> -> memref<1x64x128xf32, #tpu.memory_space<vmem>>
        %dma_start3A_540 = tpu.memref_squeeze %dma_start3A_539 : memref<1x64x128xf32, #tpu.memory_space<vmem>> -> memref<64x128xf32, #tpu.memory_space<vmem>>
        %dma_start3A_541 = tpu.memref_slice %arg8[%mul3A_536] : memref<3200xi32, #tpu.memory_space<vmem>> -> memref<64xi32, #tpu.memory_space<vmem>>
        %dma_start3A_542 = arith.constant 0 : i32
        %dma_start3A_543 = arith.constant 0 : i32
        %dma_start3A_544 = tpu.memref_slice %arg2[%dma_start3A_542, %dma_start3A_543] : memref<100000x128xf32, #tpu.memory_space<hbm>> -> memref<100000x128xf32, #tpu.memory_space<hbm>>
        %dma_start3A_545 = tpu.memref_slice %arg10[%rem3A_425] : memref<8x!tpu.dma_semaphore, #tpu.memory_space<semaphore_mem>> -> memref<1x!tpu.dma_semaphore, #tpu.memory_space<semaphore_mem>>
        %dma_start3A_546 = tpu.memref_squeeze %dma_start3A_545 : memref<1x!tpu.dma_semaphore, #tpu.memory_space<semaphore_mem>> -> memref<!tpu.dma_semaphore, #tpu.memory_space<semaphore_mem>>
        tpu.enqueue_indirect_dma source(%dma_start3A_544 : memref<100000x128xf32, #tpu.memory_space<hbm>>) target(%dma_start3A_540 : memref<64x128xf32, #tpu.memory_space<vmem>>) offsets(%dma_start3A_541 : memref<64xi32, #tpu.memory_space<vmem>>) semaphore(%dma_start3A_546 : memref<!tpu.dma_semaphore, #tpu.memory_space<semaphore_mem>>)
      } else {
      }
    }
    %scan3A_275 = arith.constant 50 : i32
    %add3A_276 = arith.constant 2688 : i32
    %add3A_277 = arith.addi %min3A_3, %add3A_276 : i32
    %dma_wait3A_278 = arith.constant 2 : i32
    %dma_wait3A_279 = arith.constant 2 : i32
    %dma_wait3A_280 = arith.constant 0 : i32
    %dma_wait3A_281 = arith.constant 0 : i32
    %dma_wait3A_282 = tpu.memref_slice %arg9[%dma_wait3A_278, %dma_wait3A_280, %dma_wait3A_281] : memref<8x64x128xf32, #tpu.memory_space<vmem>> -> memref<1x64x128xf32, #tpu.memory_space<vmem>>
    %dma_wait3A_283 = tpu.memref_squeeze %dma_wait3A_282 : memref<1x64x128xf32, #tpu.memory_space<vmem>> -> memref<64x128xf32, #tpu.memory_space<vmem>>
    %dma_wait3A_284 = arith.constant 0 : i32
    %dma_wait3A_285 = tpu.memref_slice %arg5[%add3A_277, %dma_wait3A_284] : memref<100000x128xf32, #tpu.memory_space<hbm>> -> memref<64x128xf32, #tpu.memory_space<hbm>>
    %dma_wait3A_286 = tpu.memref_slice %arg11[%dma_wait3A_279] : memref<8x!tpu.dma_semaphore, #tpu.memory_space<semaphore_mem>> -> memref<1x!tpu.dma_semaphore, #tpu.memory_space<semaphore_mem>>
    %dma_wait3A_287 = tpu.memref_squeeze %dma_wait3A_286 : memref<1x!tpu.dma_semaphore, #tpu.memory_space<semaphore_mem>> -> memref<!tpu.dma_semaphore, #tpu.memory_space<semaphore_mem>>
    %dma_wait3A_288 = arith.constant 0 : i32
    %dma_wait3A_289 = tpu.memref_slice %arg5[%add3A_277, %dma_wait3A_288] : memref<100000x128xf32, #tpu.memory_space<hbm>> -> memref<64x128xf32, #tpu.memory_space<hbm>>
    %dma_wait3A_290 = arith.constant 0 : i32
    %dma_wait3A_291 = arith.constant 0 : i32
    %dma_wait3A_292 = tpu.memref_slice %arg9[%dma_wait3A_278, %dma_wait3A_290, %dma_wait3A_291] : memref<8x64x128xf32, #tpu.memory_space<vmem>> -> memref<1x64x128xf32, #tpu.memory_space<vmem>>
    %dma_wait3A_293 = tpu.memref_squeeze %dma_wait3A_292 : memref<1x64x128xf32, #tpu.memory_space<vmem>> -> memref<64x128xf32, #tpu.memory_space<vmem>>
    tpu.wait_dma2 semaphore(%dma_wait3A_287 : memref<!tpu.dma_semaphore, #tpu.memory_space<semaphore_mem>>) src(%dma_wait3A_293 : memref<64x128xf32, #tpu.memory_space<vmem>>) dst(%dma_wait3A_289 : memref<64x128xf32, #tpu.memory_space<hbm>>)
    %add3A_294 = arith.constant 2752 : i32
    %add3A_295 = arith.addi %min3A_3, %add3A_294 : i32
    %dma_wait3A_296 = arith.constant 3 : i32
    %dma_wait3A_297 = arith.constant 3 : i32
    %dma_wait3A_298 = arith.constant 0 : i32
    %dma_wait3A_299 = arith.constant 0 : i32
    %dma_wait3A_300 = tpu.memref_slice %arg9[%dma_wait3A_296, %dma_wait3A_298, %dma_wait3A_299] : memref<8x64x128xf32, #tpu.memory_space<vmem>> -> memref<1x64x128xf32, #tpu.memory_space<vmem>>
    %dma_wait3A_301 = tpu.memref_squeeze %dma_wait3A_300 : memref<1x64x128xf32, #tpu.memory_space<vmem>> -> memref<64x128xf32, #tpu.memory_space<vmem>>
    %dma_wait3A_302 = arith.constant 0 : i32
    %dma_wait3A_303 = tpu.memref_slice %arg5[%add3A_295, %dma_wait3A_302] : memref<100000x128xf32, #tpu.memory_space<hbm>> -> memref<64x128xf32, #tpu.memory_space<hbm>>
    %dma_wait3A_304 = tpu.memref_slice %arg11[%dma_wait3A_297] : memref<8x!tpu.dma_semaphore, #tpu.memory_space<semaphore_mem>> -> memref<1x!tpu.dma_semaphore, #tpu.memory_space<semaphore_mem>>
    %dma_wait3A_305 = tpu.memref_squeeze %dma_wait3A_304 : memref<1x!tpu.dma_semaphore, #tpu.memory_space<semaphore_mem>> -> memref<!tpu.dma_semaphore, #tpu.memory_space<semaphore_mem>>
    %dma_wait3A_306 = arith.constant 0 : i32
    %dma_wait3A_307 = tpu.memref_slice %arg5[%add3A_295, %dma_wait3A_306] : memref<100000x128xf32, #tpu.memory_space<hbm>> -> memref<64x128xf32, #tpu.memory_space<hbm>>
    %dma_wait3A_308 = arith.constant 0 : i32
    %dma_wait3A_309 = arith.constant 0 : i32
    %dma_wait3A_310 = tpu.memref_slice %arg9[%dma_wait3A_296, %dma_wait3A_308, %dma_wait3A_309] : memref<8x64x128xf32, #tpu.memory_space<vmem>> -> memref<1x64x128xf32, #tpu.memory_space<vmem>>
    %dma_wait3A_311 = tpu.memref_squeeze %dma_wait3A_310 : memref<1x64x128xf32, #tpu.memory_space<vmem>> -> memref<64x128xf32, #tpu.memory_space<vmem>>
    tpu.wait_dma2 semaphore(%dma_wait3A_305 : memref<!tpu.dma_semaphore, #tpu.memory_space<semaphore_mem>>) src(%dma_wait3A_311 : memref<64x128xf32, #tpu.memory_space<vmem>>) dst(%dma_wait3A_307 : memref<64x128xf32, #tpu.memory_space<hbm>>)
    %add3A_312 = arith.constant 2816 : i32
    %add3A_313 = arith.addi %min3A_3, %add3A_312 : i32
    %dma_wait3A_314 = arith.constant 4 : i32
    %dma_wait3A_315 = arith.constant 4 : i32
    %dma_wait3A_316 = arith.constant 0 : i32
    %dma_wait3A_317 = arith.constant 0 : i32
    %dma_wait3A_318 = tpu.memref_slice %arg9[%dma_wait3A_314, %dma_wait3A_316, %dma_wait3A_317] : memref<8x64x128xf32, #tpu.memory_space<vmem>> -> memref<1x64x128xf32, #tpu.memory_space<vmem>>
    %dma_wait3A_319 = tpu.memref_squeeze %dma_wait3A_318 : memref<1x64x128xf32, #tpu.memory_space<vmem>> -> memref<64x128xf32, #tpu.memory_space<vmem>>
    %dma_wait3A_320 = arith.constant 0 : i32
    %dma_wait3A_321 = tpu.memref_slice %arg5[%add3A_313, %dma_wait3A_320] : memref<100000x128xf32, #tpu.memory_space<hbm>> -> memref<64x128xf32, #tpu.memory_space<hbm>>
    %dma_wait3A_322 = tpu.memref_slice %arg11[%dma_wait3A_315] : memref<8x!tpu.dma_semaphore, #tpu.memory_space<semaphore_mem>> -> memref<1x!tpu.dma_semaphore, #tpu.memory_space<semaphore_mem>>
    %dma_wait3A_323 = tpu.memref_squeeze %dma_wait3A_322 : memref<1x!tpu.dma_semaphore, #tpu.memory_space<semaphore_mem>> -> memref<!tpu.dma_semaphore, #tpu.memory_space<semaphore_mem>>
    %dma_wait3A_324 = arith.constant 0 : i32
    %dma_wait3A_325 = tpu.memref_slice %arg5[%add3A_313, %dma_wait3A_324] : memref<100000x128xf32, #tpu.memory_space<hbm>> -> memref<64x128xf32, #tpu.memory_space<hbm>>
    %dma_wait3A_326 = arith.constant 0 : i32
    %dma_wait3A_327 = arith.constant 0 : i32
    %dma_wait3A_328 = tpu.memref_slice %arg9[%dma_wait3A_314, %dma_wait3A_326, %dma_wait3A_327] : memref<8x64x128xf32, #tpu.memory_space<vmem>> -> memref<1x64x128xf32, #tpu.memory_space<vmem>>
    %dma_wait3A_329 = tpu.memref_squeeze %dma_wait3A_328 : memref<1x64x128xf32, #tpu.memory_space<vmem>> -> memref<64x128xf32, #tpu.memory_space<vmem>>
    tpu.wait_dma2 semaphore(%dma_wait3A_323 : memref<!tpu.dma_semaphore, #tpu.memory_space<semaphore_mem>>) src(%dma_wait3A_329 : memref<64x128xf32, #tpu.memory_space<vmem>>) dst(%dma_wait3A_325 : memref<64x128xf32, #tpu.memory_space<hbm>>)
    %add3A_330 = arith.constant 2880 : i32
    %add3A_331 = arith.addi %min3A_3, %add3A_330 : i32
    %dma_wait3A_332 = arith.constant 5 : i32
    %dma_wait3A_333 = arith.constant 5 : i32
    %dma_wait3A_334 = arith.constant 0 : i32
    %dma_wait3A_335 = arith.constant 0 : i32
    %dma_wait3A_336 = tpu.memref_slice %arg9[%dma_wait3A_332, %dma_wait3A_334, %dma_wait3A_335] : memref<8x64x128xf32, #tpu.memory_space<vmem>> -> memref<1x64x128xf32, #tpu.memory_space<vmem>>
    %dma_wait3A_337 = tpu.memref_squeeze %dma_wait3A_336 : memref<1x64x128xf32, #tpu.memory_space<vmem>> -> memref<64x128xf32, #tpu.memory_space<vmem>>
    %dma_wait3A_338 = arith.constant 0 : i32
    %dma_wait3A_339 = tpu.memref_slice %arg5[%add3A_331, %dma_wait3A_338] : memref<100000x128xf32, #tpu.memory_space<hbm>> -> memref<64x128xf32, #tpu.memory_space<hbm>>
    %dma_wait3A_340 = tpu.memref_slice %arg11[%dma_wait3A_333] : memref<8x!tpu.dma_semaphore, #tpu.memory_space<semaphore_mem>> -> memref<1x!tpu.dma_semaphore, #tpu.memory_space<semaphore_mem>>
    %dma_wait3A_341 = tpu.memref_squeeze %dma_wait3A_340 : memref<1x!tpu.dma_semaphore, #tpu.memory_space<semaphore_mem>> -> memref<!tpu.dma_semaphore, #tpu.memory_space<semaphore_mem>>
    %dma_wait3A_342 = arith.constant 0 : i32
    %dma_wait3A_343 = tpu.memref_slice %arg5[%add3A_331, %dma_wait3A_342] : memref<100000x128xf32, #tpu.memory_space<hbm>> -> memref<64x128xf32, #tpu.memory_space<hbm>>
    %dma_wait3A_344 = arith.constant 0 : i32
    %dma_wait3A_345 = arith.constant 0 : i32
    %dma_wait3A_346 = tpu.memref_slice %arg9[%dma_wait3A_332, %dma_wait3A_344, %dma_wait3A_345] : memref<8x64x128xf32, #tpu.memory_space<vmem>> -> memref<1x64x128xf32, #tpu.memory_space<vmem>>
    %dma_wait3A_347 = tpu.memref_squeeze %dma_wait3A_346 : memref<1x64x128xf32, #tpu.memory_space<vmem>> -> memref<64x128xf32, #tpu.memory_space<vmem>>
    tpu.wait_dma2 semaphore(%dma_wait3A_341 : memref<!tpu.dma_semaphore, #tpu.memory_space<semaphore_mem>>) src(%dma_wait3A_347 : memref<64x128xf32, #tpu.memory_space<vmem>>) dst(%dma_wait3A_343 : memref<64x128xf32, #tpu.memory_space<hbm>>)
    %add3A_348 = arith.constant 2944 : i32
    %add3A_349 = arith.addi %min3A_3, %add3A_348 : i32
    %dma_wait3A_350 = arith.constant 6 : i32
    %dma_wait3A_351 = arith.constant 6 : i32
    %dma_wait3A_352 = arith.constant 0 : i32
    %dma_wait3A_353 = arith.constant 0 : i32
    %dma_wait3A_354 = tpu.memref_slice %arg9[%dma_wait3A_350, %dma_wait3A_352, %dma_wait3A_353] : memref<8x64x128xf32, #tpu.memory_space<vmem>> -> memref<1x64x128xf32, #tpu.memory_space<vmem>>
    %dma_wait3A_355 = tpu.memref_squeeze %dma_wait3A_354 : memref<1x64x128xf32, #tpu.memory_space<vmem>> -> memref<64x128xf32, #tpu.memory_space<vmem>>
    %dma_wait3A_356 = arith.constant 0 : i32
    %dma_wait3A_357 = tpu.memref_slice %arg5[%add3A_349, %dma_wait3A_356] : memref<100000x128xf32, #tpu.memory_space<hbm>> -> memref<64x128xf32, #tpu.memory_space<hbm>>
    %dma_wait3A_358 = tpu.memref_slice %arg11[%dma_wait3A_351] : memref<8x!tpu.dma_semaphore, #tpu.memory_space<semaphore_mem>> -> memref<1x!tpu.dma_semaphore, #tpu.memory_space<semaphore_mem>>
    %dma_wait3A_359 = tpu.memref_squeeze %dma_wait3A_358 : memref<1x!tpu.dma_semaphore, #tpu.memory_space<semaphore_mem>> -> memref<!tpu.dma_semaphore, #tpu.memory_space<semaphore_mem>>
    %dma_wait3A_360 = arith.constant 0 : i32
    %dma_wait3A_361 = tpu.memref_slice %arg5[%add3A_349, %dma_wait3A_360] : memref<100000x128xf32, #tpu.memory_space<hbm>> -> memref<64x128xf32, #tpu.memory_space<hbm>>
    %dma_wait3A_362 = arith.constant 0 : i32
    %dma_wait3A_363 = arith.constant 0 : i32
    %dma_wait3A_364 = tpu.memref_slice %arg9[%dma_wait3A_350, %dma_wait3A_362, %dma_wait3A_363] : memref<8x64x128xf32, #tpu.memory_space<vmem>> -> memref<1x64x128xf32, #tpu.memory_space<vmem>>
    %dma_wait3A_365 = tpu.memref_squeeze %dma_wait3A_364 : memref<1x64x128xf32, #tpu.memory_space<vmem>> -> memref<64x128xf32, #tpu.memory_space<vmem>>
    tpu.wait_dma2 semaphore(%dma_wait3A_359 : memref<!tpu.dma_semaphore, #tpu.memory_space<semaphore_mem>>) src(%dma_wait3A_365 : memref<64x128xf32, #tpu.memory_space<vmem>>) dst(%dma_wait3A_361 : memref<64x128xf32, #tpu.memory_space<hbm>>)
    %add3A_366 = arith.constant 3008 : i32
    %add3A_367 = arith.addi %min3A_3, %add3A_366 : i32
    %dma_wait3A_368 = arith.constant 7 : i32
    %dma_wait3A_369 = arith.constant 7 : i32
    %dma_wait3A_370 = arith.constant 0 : i32
    %dma_wait3A_371 = arith.constant 0 : i32
    %dma_wait3A_372 = tpu.memref_slice %arg9[%dma_wait3A_368, %dma_wait3A_370, %dma_wait3A_371] : memref<8x64x128xf32, #tpu.memory_space<vmem>> -> memref<1x64x128xf32, #tpu.memory_space<vmem>>
    %dma_wait3A_373 = tpu.memref_squeeze %dma_wait3A_372 : memref<1x64x128xf32, #tpu.memory_space<vmem>> -> memref<64x128xf32, #tpu.memory_space<vmem>>
    %dma_wait3A_374 = arith.constant 0 : i32
    %dma_wait3A_375 = tpu.memref_slice %arg5[%add3A_367, %dma_wait3A_374] : memref<100000x128xf32, #tpu.memory_space<hbm>> -> memref<64x128xf32, #tpu.memory_space<hbm>>
    %dma_wait3A_376 = tpu.memref_slice %arg11[%dma_wait3A_369] : memref<8x!tpu.dma_semaphore, #tpu.memory_space<semaphore_mem>> -> memref<1x!tpu.dma_semaphore, #tpu.memory_space<semaphore_mem>>
    %dma_wait3A_377 = tpu.memref_squeeze %dma_wait3A_376 : memref<1x!tpu.dma_semaphore, #tpu.memory_space<semaphore_mem>> -> memref<!tpu.dma_semaphore, #tpu.memory_space<semaphore_mem>>
    %dma_wait3A_378 = arith.constant 0 : i32
    %dma_wait3A_379 = tpu.memref_slice %arg5[%add3A_367, %dma_wait3A_378] : memref<100000x128xf32, #tpu.memory_space<hbm>> -> memref<64x128xf32, #tpu.memory_space<hbm>>
    %dma_wait3A_380 = arith.constant 0 : i32
    %dma_wait3A_381 = arith.constant 0 : i32
    %dma_wait3A_382 = tpu.memref_slice %arg9[%dma_wait3A_368, %dma_wait3A_380, %dma_wait3A_381] : memref<8x64x128xf32, #tpu.memory_space<vmem>> -> memref<1x64x128xf32, #tpu.memory_space<vmem>>
    %dma_wait3A_383 = tpu.memref_squeeze %dma_wait3A_382 : memref<1x64x128xf32, #tpu.memory_space<vmem>> -> memref<64x128xf32, #tpu.memory_space<vmem>>
    tpu.wait_dma2 semaphore(%dma_wait3A_377 : memref<!tpu.dma_semaphore, #tpu.memory_space<semaphore_mem>>) src(%dma_wait3A_383 : memref<64x128xf32, #tpu.memory_space<vmem>>) dst(%dma_wait3A_379 : memref<64x128xf32, #tpu.memory_space<hbm>>)
    %add3A_384 = arith.constant 3072 : i32
    %add3A_385 = arith.addi %min3A_3, %add3A_384 : i32
    %dma_wait3A_386 = arith.constant 0 : i32
    %dma_wait3A_387 = arith.constant 0 : i32
    %dma_wait3A_388 = arith.constant 0 : i32
    %dma_wait3A_389 = arith.constant 0 : i32
    %dma_wait3A_390 = tpu.memref_slice %arg9[%dma_wait3A_386, %dma_wait3A_388, %dma_wait3A_389] : memref<8x64x128xf32, #tpu.memory_space<vmem>> -> memref<1x64x128xf32, #tpu.memory_space<vmem>>
    %dma_wait3A_391 = tpu.memref_squeeze %dma_wait3A_390 : memref<1x64x128xf32, #tpu.memory_space<vmem>> -> memref<64x128xf32, #tpu.memory_space<vmem>>
    %dma_wait3A_392 = arith.constant 0 : i32
    %dma_wait3A_393 = tpu.memref_slice %arg5[%add3A_385, %dma_wait3A_392] : memref<100000x128xf32, #tpu.memory_space<hbm>> -> memref<64x128xf32, #tpu.memory_space<hbm>>
    %dma_wait3A_394 = tpu.memref_slice %arg11[%dma_wait3A_387] : memref<8x!tpu.dma_semaphore, #tpu.memory_space<semaphore_mem>> -> memref<1x!tpu.dma_semaphore, #tpu.memory_space<semaphore_mem>>
    %dma_wait3A_395 = tpu.memref_squeeze %dma_wait3A_394 : memref<1x!tpu.dma_semaphore, #tpu.memory_space<semaphore_mem>> -> memref<!tpu.dma_semaphore, #tpu.memory_space<semaphore_mem>>
    %dma_wait3A_396 = arith.constant 0 : i32
    %dma_wait3A_397 = tpu.memref_slice %arg5[%add3A_385, %dma_wait3A_396] : memref<100000x128xf32, #tpu.memory_space<hbm>> -> memref<64x128xf32, #tpu.memory_space<hbm>>
    %dma_wait3A_398 = arith.constant 0 : i32
    %dma_wait3A_399 = arith.constant 0 : i32
    %dma_wait3A_400 = tpu.memref_slice %arg9[%dma_wait3A_386, %dma_wait3A_398, %dma_wait3A_399] : memref<8x64x128xf32, #tpu.memory_space<vmem>> -> memref<1x64x128xf32, #tpu.memory_space<vmem>>
    %dma_wait3A_401 = tpu.memref_squeeze %dma_wait3A_400 : memref<1x64x128xf32, #tpu.memory_space<vmem>> -> memref<64x128xf32, #tpu.memory_space<vmem>>
    tpu.wait_dma2 semaphore(%dma_wait3A_395 : memref<!tpu.dma_semaphore, #tpu.memory_space<semaphore_mem>>) src(%dma_wait3A_401 : memref<64x128xf32, #tpu.memory_space<vmem>>) dst(%dma_wait3A_397 : memref<64x128xf32, #tpu.memory_space<hbm>>)
    %add3A_402 = arith.constant 3136 : i32
    %add3A_403 = arith.addi %min3A_3, %add3A_402 : i32
    %dma_wait3A_404 = arith.constant 1 : i32
    %dma_wait3A_405 = arith.constant 1 : i32
    %dma_wait3A_406 = arith.constant 0 : i32
    %dma_wait3A_407 = arith.constant 0 : i32
    %dma_wait3A_408 = tpu.memref_slice %arg9[%dma_wait3A_404, %dma_wait3A_406, %dma_wait3A_407] : memref<8x64x128xf32, #tpu.memory_space<vmem>> -> memref<1x64x128xf32, #tpu.memory_space<vmem>>
    %dma_wait3A_409 = tpu.memref_squeeze %dma_wait3A_408 : memref<1x64x128xf32, #tpu.memory_space<vmem>> -> memref<64x128xf32, #tpu.memory_space<vmem>>
    %dma_wait3A_410 = arith.constant 0 : i32
    %dma_wait3A_411 = tpu.memref_slice %arg5[%add3A_403, %dma_wait3A_410] : memref<100000x128xf32, #tpu.memory_space<hbm>> -> memref<64x128xf32, #tpu.memory_space<hbm>>
    %dma_wait3A_412 = tpu.memref_slice %arg11[%dma_wait3A_405] : memref<8x!tpu.dma_semaphore, #tpu.memory_space<semaphore_mem>> -> memref<1x!tpu.dma_semaphore, #tpu.memory_space<semaphore_mem>>
    %dma_wait3A_413 = tpu.memref_squeeze %dma_wait3A_412 : memref<1x!tpu.dma_semaphore, #tpu.memory_space<semaphore_mem>> -> memref<!tpu.dma_semaphore, #tpu.memory_space<semaphore_mem>>
    %dma_wait3A_414 = arith.constant 0 : i32
    %dma_wait3A_415 = tpu.memref_slice %arg5[%add3A_403, %dma_wait3A_414] : memref<100000x128xf32, #tpu.memory_space<hbm>> -> memref<64x128xf32, #tpu.memory_space<hbm>>
    %dma_wait3A_416 = arith.constant 0 : i32
    %dma_wait3A_417 = arith.constant 0 : i32
    %dma_wait3A_418 = tpu.memref_slice %arg9[%dma_wait3A_404, %dma_wait3A_416, %dma_wait3A_417] : memref<8x64x128xf32, #tpu.memory_space<vmem>> -> memref<1x64x128xf32, #tpu.memory_space<vmem>>
    %dma_wait3A_419 = tpu.memref_squeeze %dma_wait3A_418 : memref<1x64x128xf32, #tpu.memory_space<vmem>> -> memref<64x128xf32, #tpu.memory_space<vmem>>
    tpu.wait_dma2 semaphore(%dma_wait3A_413 : memref<!tpu.dma_semaphore, #tpu.memory_space<semaphore_mem>>) src(%dma_wait3A_419 : memref<64x128xf32, #tpu.memory_space<vmem>>) dst(%dma_wait3A_415 : memref<64x128xf32, #tpu.memory_space<hbm>>)
    return
  }
}

</mosaic_0001>

<sc_bundles>
// kernel: kernel.3.cloned.1.call-start
scs
__scs_entry_jumppad:
0x0: {  	(pc) =	sbr.rel $0x88, $3  }
0x1: {  	(tag) =	ssettag $0x0;
	lr =	simm.s32 $0x1  }
0x2: {  	[smem:$0x3F9E] =	sst lr;
	_ =	strace $0xD0000000  }
0x3: {  	_ = 	snop  }
0x4: {  	_ = 	snop  }
0x5: {  	_ = 	snop  }
0x6: {  	_ = 	snop  }
0x7: {  	_ = 	snop  }
__scs_overlays_trampoline_lowered:
0x8: {  	[smem:$0x3FAD] =	sst s0  }
0x9: {  	[smem:$0x3FAE] =	sst s1  }
0xa: {  	[smem:$0x3FAF] =	sst s2  }
0xb: {  	[smem:$0x3FB0] =	sst s3  }
0xc: {  	[smem:$0x3FB1] =	sst s4  }
0xd: {  	[smem:$0x3FB2] =	sst s5  }
0xe: {  	[smem:$0x3FB3] =	sst s6  }
0xf: {  	[smem:$0x3FB4] =	sst s7  }
0x10: {  	[smem:$0x3FB5] =	sst s8  }
0x11: {  	[smem:$0x3FB6] =	sst s9;
	s0 =	simm.s32 @!p0 $0x0  }
0x12: {  	s1 =	sld [smem:$0x3F9C];
	s0 =	simm.s32 @p0 $0x1  }
0x13: {  	[smem:$0x3FB7] =	sst s0;
	s0 =	simm.s32 @!p1 $0x0  }
0x14: {  	s2 =	sld [smem:$0x3F9B];
	s0 =	simm.s32 @p1 $0x1  }
0x15: {  	[smem:$0x3FB8] =	sst s0;
	s0 =	simm.s32 @!p2 $0x0  }
0x16: {  	s3 =	sld [smem:$0x3FDB];
	s0 =	simm.s32 @p2 $0x1  }
0x17: {  	s4 =	simm.s32 $0x1BF5;
	[smem:$0x3FBA] =	sst s0  }
0x18: {  	s0 =	sld [smem:$0x3F9D];
	_ =	swait.ge [sflag:s4], $0x0  }
0x19: {  	s7 =	sld [smem:$0x3F9E]  }
0x1a: {  	s8 =	sadd.s32 $0xFFFFE003, lr  }
0x1b: {  	s9 =	sadd.s32 $0xFFFFFEF7, lr;
	s5 =	simm.s32 $0xFFFFFFFF;
	p2 =	slt.u32 s8, $0xFFFFF086  }
0x1c: {  	p1 =	slt.u32 s9, $0xF7A;
	s5 =	simm.s32 @!p2 $0x0  }
0x1d: {  	s5 =	simm.s32 @p1 $0x1;
	p0 =	seq.s32 s7, s2  }
0x1e: {  	s7 =	smul.u32 @!p0 $0xF7A, s2;
	p2 =	seq.s32 @!p0 s5, $0x0  }
0x1f: {  	s9 =	smul.u32 $0xF7A, s1;
	s8 =	simm.s32 @!p0 $0x1BF5;
	p2 =	por !p2, p0  }
0x20: {  	[sflag:s8] =	ssyncset.s32 @!p0 $0xFFFFF086;
	s6 =	sadd.s32 @!p0 s3, s7;
	s7 =	simm.s32 @!p0 $0x108  }
0x21: {  	s3 =	sadd.s32 s3, s9;
	s6 =	sadd.s32 @!p0 $0x88, s6;
	s7 =	simm.s32 @p2 $0x1082  }
0x22: {  	[simem:s7], [sflag:s8] =	dma.local @!p0 [hbm:s6], $0xF7A  }
0x23: {  	s9 =	sor.u32 $0xD0000000, s2;
	s6 =	simm.s32 $0x108;
	_ =	swait.ge @!p0 [sflag:s8], $0x0  }
0x24: {  	s3 =	sadd.s32 $0x88, s3;
	s6 =	simm.s32 @!p1 $0x1082;
	[sflag:s4] =	ssyncset.s32 $0xFFFFF086  }
0x25: {  	[simem:s6], [sflag:s4] =	dma.local [hbm:s3], $0xF7A  }
0x26: {  	[smem:$0x3F9E] =	sst s1;
	(tag) =	ssettag s2;
	_ =	strace s9  }
0x27: {  	s1 =	sld [smem:$0x3FAE]  }
0x28: {  	s2 =	sld [smem:$0x3FAF]  }
0x29: {  	s4 =	sld [smem:$0x3FB1]  }
0x2a: {  	p0 =	seq.s32 s5, $0x0;
	s5 =	sld [smem:$0x3FB2]  }
0x2b: {  	s6 =	sld [smem:$0x3FB3]  }
0x2c: {  	s7 =	sld [smem:$0x3FB4]  }
0x2d: {  	s3 =	simm.s32 $0x108;
	s8 =	sld [smem:$0x3FB5]  }
0x2e: {  	s3 =	simm.s32 @!p0 $0x1082;
	s9 =	sld [smem:$0x3FB6]  }
0x2f: {  	lr =	sadd.s32 s0, s3;
	s0 =	sld [smem:$0x3FAD]  }
0x30: {  	s3 =	sld [smem:$0x3FB0]  }
0x31: {  	[smem:$0x3FB9] =	sst s10  }
0x32: {  	s10 =	sld [smem:$0x3FB7];
	_ =	sdelay $0x3  }
0x33: {  	p0 =	seq.s32 s10, $0x1;
	s10 =	sld [smem:$0x3FB9];
	_ =	sdelay $0x3  }
0x34: {  	[smem:$0x3FB9] =	sst s10  }
0x35: {  	s10 =	sld [smem:$0x3FB8];
	_ =	sdelay $0x3  }
0x36: {  	p1 =	seq.s32 s10, $0x1;
	s10 =	sld [smem:$0x3FB9];
	_ =	sdelay $0x3  }
0x37: {  	[smem:$0x3FB9] =	sst s10  }
0x38: {  	s10 =	sld [smem:$0x3FBA]  }
0x39: {  	_ = 	snop;
	(pc) =	sbr.ind lr, $3  }
0x3a: {  	_ = 	snop  }
0x3b: {  	_ = 	snop  }
0x3c: {  	p2 =	seq.s32 s10, $0x1;
	s10 =	sld [smem:$0x3FB9]  }
0x3d: {  	_ =	shalt  }
0x3e: {  	_ =	shalt  }
0x3f: {  	_ =	shalt  }
0x40: {  	_ =	shalt  }
0x41: {  	_ =	shalt  }
0x42: {  	_ =	shalt  }
0x43: {  	_ =	shalt  }
0x44: {  	_ =	shalt  }
0x45: {  	_ =	shalt  }
0x46: {  	_ =	shalt  }
0x47: {  	_ =	shalt  }
0x48: {  	_ =	shalt  }
0x49: {  	_ =	shalt  }
0x4a: {  	_ =	shalt  }
0x4b: {  	_ =	shalt  }
0x4c: {  	_ =	shalt  }
0x4d: {  	_ =	shalt  }
0x4e: {  	_ =	shalt  }
0x4f: {  	_ =	shalt  }
0x50: {  	_ =	shalt  }
0x51: {  	_ =	shalt  }
0x52: {  	_ =	shalt  }
0x53: {  	_ =	shalt  }
0x54: {  	_ =	shalt  }
0x55: {  	_ =	shalt  }
0x56: {  	_ =	shalt  }
0x57: {  	_ =	shalt  }
0x58: {  	_ =	shalt  }
0x59: {  	_ =	shalt  }
0x5a: {  	_ =	shalt  }
0x5b: {  	_ =	shalt  }
0x5c: {  	_ =	shalt  }
0x5d: {  	_ =	shalt  }
0x5e: {  	_ =	shalt  }
0x5f: {  	_ =	shalt  }
0x60: {  	_ =	shalt  }
0x61: {  	_ =	shalt  }
0x62: {  	_ =	shalt  }
0x63: {  	_ =	shalt  }
0x64: {  	_ =	shalt  }
0x65: {  	_ =	shalt  }
0x66: {  	_ =	shalt  }
0x67: {  	_ =	shalt  }
0x68: {  	_ =	shalt  }
0x69: {  	_ =	shalt  }
0x6a: {  	_ =	shalt  }
0x6b: {  	_ =	shalt  }
0x6c: {  	_ =	shalt  }
0x6d: {  	_ =	shalt  }
0x6e: {  	_ =	shalt  }
0x6f: {  	_ =	shalt  }
0x70: {  	_ =	shalt  }
0x71: {  	_ =	shalt  }
0x72: {  	_ =	shalt  }
0x73: {  	_ =	shalt  }
0x74: {  	_ =	shalt  }
0x75: {  	_ =	shalt  }
0x76: {  	_ =	shalt  }
0x77: {  	_ =	shalt  }
0x78: {  	_ =	shalt  }
0x79: {  	_ =	shalt  }
0x7a: {  	_ =	shalt  }
0x7b: {  	_ =	shalt  }
0x7c: {  	_ =	shalt  }
0x7d: {  	_ =	shalt  }
0x7e: {  	_ =	shalt  }
0x7f: {  	_ =	shalt  }
0x80: {  	_ =	shalt  }
0x81: {  	_ =	shalt  }
0x82: {  	_ =	shalt  }
0x83: {  	_ =	shalt  }
0x84: {  	_ =	shalt  }
0x85: {  	_ =	shalt  }
0x86: {  	_ =	shalt  }
0x87: {  	_ =	shalt  }
.Lfunc_end0:
.L_simem_size_0:
called_computation_lowered:
.L_overlay_start_0:
0x88: {  	s2 =	sld [smem:$0x3FD9]  }
0x89: {  	s3 =	sld [smem:$0x3FFE];
	_ =	sdelay $0x1  }
0x8a: {  	s1 =	srdreg.scid  }
0x8b: {  	s0 =	sand.u32 $0x1, s1  }
0x8c: {  	s18 =	sshll.u32 s0, $0xA;
	s2 =	sadd.s32 s3, s2  }
0x8d: {  	s2 =	sadd.s32 s2, s18  }
0x8e: {  	[smem:$0x3FC5] =	sst s2  }
0x8f: {  	_ = 	snop  }
0x90: {  	s2 =	sld [smem:$0x3FC9]  }
0x91: {  	s19 =	sld [smem:$0x3FC8]  }
0x92: {  	s4 =	sld [smem:$0x3FC7]  }
0x93: {  	s5 =	sld [smem:$0x3FD0];
	(tm) =	ssettm $0x1  }
0x94: {  	s6 =	sld [smem:$0x3FFB];
	_ =	sdelay $0x3  }
0x95: {  	_ =	strace s6  }
0x96: {  	s6 =	sld [smem:$0x3FFC];
	_ =	sdelay $0x3  }
0x97: {  	_ =	strace s6  }
0x98: {  	s6 =	sld [smem:$0x3FFD];
	_ =	sdelay $0x3  }
0x99: {  	_ =	strace s6  }
0x9a: {  	_ =	strace $0x8FFFFFFF  }
0x9b: {  	s20 =	sld [smem:$0x3FDB];
	_ =	sdelay $0x1  }
0x9c: {  	s7 =	simm.s32 $_scs_section_size  }
0x9d: {  	s8 =	simm.s32 $_size__tile_overlayer_lowered;
	s9 =	simm.s32 $_tile_overlayer_lowered  }
0x9e: {  	s23 =	simm.s32 $0x1BFF;
	s22 =	sshll.u32 s9, $0x1;
	s6 =	sadd.s32 s7, s20  }
0x9f: {  	s10 =	simm.s32 $0x0;
	s21 =	sshll.u32 s8, $0x1;
	s8 =	sadd.s32 s22, s6  }
0xa0: {  	[timem:s10], [sflag:s23] =	dma.local [hbm:s8], s21  }
0xa1: {  	_ =	swait.ge [sflag:s23], s21  }
0xa2: {  	s7 =	ssub.s32 $0x0, s21;
	[sflag:s23] =	ssyncset.done $0x0  }
0xa3: {  	[sflag:s23] =	ssyncadd.s32 s7;
	_ =	sdelay $0x1  }
0xa4: {  	s24 =	simm.s32 $0x1B8B  }
0xa5: {  	_ =	swait.ge [sflag:s24], $0x1  }
0xa6: {  	[sflag:s24] =	ssyncset.done $0x0  }
0xa7: {  	s25 =	simm.s32 $0x1B8E;
	[sflag:s24] =	ssyncadd.s32 $0xFFFFFFFF  }
0xa8: {  	s26 =	simm.s32 $execute0_lowered;
	[smem:$0x3FD2] =	sst s25  }
0xa9: {  	s7 =	sshll.u32 s26, $0x1;
	_ =	strace $0x80000046;
	[dreg:$0x1] =	wrdreg $0xFFFFFFFF  }
0xaa: {  	s28 =	simm.s32 $_size_execute0_lowered;
	s6 =	sadd.s32 s6, s7;
	[dreg:$0x0] =	wrdreg $0x0  }
0xab: {  	s7 =	sshll.u32 s28, $0x1;
	[dreg:$0x2] =	wrdreg s6  }
0xac: {  	[dreg:$0x3] =	wrdreg s7  }
0xad: {  	[dreg:$0x4] =	wrdreg $0xC0  }
0xae: {  	_ =	task [dreg:s10], $0x5FFFF  }
0xaf: {  	[dreg:$0x1] =	wrdreg $0xFFFFFFFF  }
0xb0: {  	[dreg:$0x0] =	wrdreg $0x60  }
0xb1: {  	[dreg:$0x2] =	wrdreg s2  }
0xb2: {  	[dreg:$0x3] =	wrdreg s19  }
0xb3: {  	[dreg:$0x4] =	wrdreg s4  }
0xb4: {  	[dreg:$0x5] =	wrdreg s5  }
0xb5: {  	[dreg:$0x6] =	wrdreg $0x9  }
0xb6: {  	_ =	task.clear_ibuf [dreg:s10], $0x7FFFF;
	_ =	strace $0x90000046  }
0xb7: {  	s29 =	simm.s32 $0x9;
	_ =	strace $0x80000048  }
0xb8: {  	_ =	swait.ge [sflag:s29], $0x1  }
0xb9: {  	[sflag:s29] =	ssyncadd.s32 $0xFFFFFFFF  }
0xba: {  	_ =	strace $0x90000048  }
0xbb: {  	_ =	sfence  }
0xbc: {  	s30 =	sld [smem:$0x0];
	_ =	sdelay $0x2  }
0xbd: {  	s31 =	sshll.u32 s1, $0xD;
	s1 =	sshrl.u32 s1, $0x2  }
0xbe: {  	s3 =	sand.u32 $0x4000, s31;
	s1 =	sadd.s32 s1, s30  }
0xbf: {  	s0 =	sor.u32 s3, s0;
	s1 =	sshll.u32 s1, $0x11  }
0xc0: {  	s0 =	sor.u32 s1, s0  }
0xc1: {  	s0 =	sadd.s32 $0x8F2B, s0  }
0xc2: {  	[sflag:s0] =	ssyncadd.remote.s32 $0x1  }
0xc3: {  	_ =	sfence.sel $0xFFFF  }
0xc4: {  	[dreg:$0x0] =	wrdreg $0xFFFFFFFF;
	(pc) =	sbr.abs _section_cstart, $3  }
0xc5: {  	[dreg:$0x1] =	wrdreg $0xFFFFFFFF  }
0xc6: {  	_ =	task.clear_ibuf [dreg:s10], $0x2FFFF;
	_ =	strace $0x9FFFFFFF  }
0xc7: {  	(tm) =	ssettm $0x7FFFFFFF  }
tec
execute0_lowered:
.L_overlay_start_1:
0x0: {  	(tag) =	ssettag $0x1  }
0x1: {  	s0 =	srdreg.scid;
	s12 =	stileid.u32  }
0x2: {  	s0 =	sand.u32 $0x1, s0;
	s1 =	sshll.u32 s12, $0x1  }
0x3: {  	s1 =	sor.u32 s0, s1  }
0x4: {  	s1 =	smul.u32 $0xC80, s1;
	_ =	sdelay $0x1  }
0x5: {  	s4 =	smin.u32 s1, $0x17A20;
	s5 =	smin.u32 s1, $0x17A00  }
0x6: {  	v0 =	vlaneseq.u32;
	s2 =	ssub.s32 s4, s5  }
0x7: {  	v2 =	vmov s2;
	v1 =	vor.u32 s2, v0  }
0x8: {  	s9 =	sor.u32 $0x10, s2;
	s10 =	sadd.s32 $0x20, s2;
	v1 =	vand.u32 $0x2F, v1;
	v2 =	vshll.u32 v2, $0x3  }
0x9: {  	s11 =	sadd.s32 $0x30, s2;
	v4 =	vmov s9;
	v3 =	vor.u32 s9, v0;
	v5 =	vor.u32 s10, v0  }
0xa: {  	s13 =	sor.u32 $0x40, s2;
	s14 =	sor.u32 $0x50, s2;
	v6 =	vmov s10;
	v8 =	vmov s11;
	v7 =	vor.u32 s11, v0  }
0xb: {  	s15 =	sadd.s32 $0x60, s2;
	v10 =	vmov s13;
	v9 =	vor.u32 s13, v0;
	v11 =	vor.u32 s14, v0  }
0xc: {  	s3 =	sadd.s32 $0x70, s2;
	s16 =	sadd.s32 $0x80, s2;
	v12 =	vmov s14;
	v14 =	vmov s15;
	v13 =	vor.u32 s15, v0  }
0xd: {  	s17 =	sadd.s32 $0x90, s2;
	v16 =	vmov s3;
	v15 =	vor.u32 s3, v0;
	v17 =	vor.u32 s16, v0  }
0xe: {  	s18 =	sadd.s32 $0xB0, s2;
	s19 =	sadd.s32 $0xC0, s2;
	v18 =	vmov s16;
	v20 =	vmov s17;
	v19 =	vor.u32 s17, v0  }
0xf: {  	s20 =	sadd.s32 $0xD0, s2;
	v23 =	vor.u32 s18, v0;
	v24 =	vmov s18;
	v26 =	vmov s19  }
0x10: {  	s21 =	sadd.s32 $0xE0, s2;
	s22 =	sadd.s32 $0xF0, s2;
	v25 =	vor.u32 s19, v0;
	v28 =	vmov s20;
	v27 =	vor.u32 s20, v0  }
0x11: {  	s24 =	sadd.s32 $0x100, s2;
	v29 =	vor.u32 s21, v0;
	v30 =	vmov s21;
	v32 =	vmov s22  }
0x12: {  	s23 =	sadd.s32 $0x120, s2;
	v31 =	vor.u32 s22, v0;
	v34 =	vmov s24;
	v33 =	vor.u32 s24, v0  }
0x13: {  	v38 =	vmov s23;
	v63 =	vor.u32 s23, v0;
	v2 =	vand.u32 $0xFFFFFC00, v2  }
0x14: {  	v3 =	vand.u32 $0x7F, v3;
	v4 =	vshll.u32 v4, $0x3;
	v5 =	vand.u32 $0x7F, v5  }
0x15: {  	v6 =	vshll.u32 v6, $0x3;
	v7 =	vand.u32 $0x7F, v7;
	v8 =	vshll.u32 v8, $0x3  }
0x16: {  	v9 =	vand.u32 $0x7F, v9;
	v10 =	vshll.u32 v10, $0x3;
	v11 =	vand.u32 $0x7F, v11  }
0x17: {  	v12 =	vshll.u32 v12, $0x3;
	v13 =	vand.u32 $0x7F, v13;
	v14 =	vshll.u32 v14, $0x3  }
0x18: {  	v15 =	vand.u32 $0x7F, v15;
	v16 =	vshll.u32 v16, $0x3;
	v17 =	vand.u32 $0x7F, v17  }
0x19: {  	s9 =	sadd.s32 $0xA0, s2;
	v18 =	vshll.u32 v18, $0x3;
	v19 =	vand.u32 $0x7F, v19;
	v20 =	vshll.u32 v20, $0x3  }
0x1a: {  	s6 =	rddreg [dreg:$0x1];
	v22 =	vmov s9;
	v21 =	vor.u32 s9, v0;
	v23 =	vand.u32 $0x7F, v23  }
0x1b: {  	s7 =	rddreg [dreg:$0x2];
	v24 =	vshll.u32 v24, $0x3;
	v25 =	vand.u32 $0x7F, v25;
	v26 =	vshll.u32 v26, $0x3  }
0x1c: {  	s8 =	rddreg [dreg:$0x3];
	s28 =	simm.s32 $0xD;
	s29 =	simm.s32 $0xE;
	v27 =	vand.u32 $0x7F, v27;
	v28 =	vshll.u32 v28, $0x3;
	v29 =	vand.u32 $0x7F, v29  }
0x1d: {  	s30 =	simm.s32 $0xF;
	s31 =	simm.s32 $0x10;
	s16 =	sadd.s32 $0x110, s2;
	v30 =	vshll.u32 v30, $0x3;
	v31 =	vand.u32 $0x7F, v31;
	v32 =	vshll.u32 v32, $0x3  }
0x1e: {  	s12 =	smul.u32 $0x1900, s12;
	s4 =	sshrl.u32 s4, $0x3;
	s2 =	sadd.s32 $0x130, s2;
	v33 =	vand.u32 $0x7F, v33;
	v34 =	vshll.u32 v34, $0x3;
	v35 =	vmov s16  }
0x1f: {  	s1 =	rddreg [dreg:$0x0];
	s5 =	sadd.s32 s6, s5;
	s4 =	sadd.s32 s7, s4;
	v36 =	vor.u32 s16, v0;
	v39 =	vmov s2;
	v40 =	vor.u32 s2, v0  }
0x20: {  	s3 =	simm.s32 $0x0;
	s10 =	ssub.s32 $0x2, s0;
	s0 =	smul.u32 $0xC80, s0;
	v38 =	vshll.u32 v38, $0x3;
	v4 =	vand.u32 $0xFFFFFC00, v4;
	v6 =	vand.u32 $0xFFFFFC00, v6  }
0x21: {  	s13 =	simm.s32 $0xA;
	s14 =	simm.s32 $0x40;
	s20 =	simm.s32 $0x12900;
	v8 =	vand.u32 $0xFFFFFC00, v8;
	v10 =	vand.u32 $0xFFFFFC00, v10;
	v12 =	vand.u32 $0xFFFFFC00, v12  }
0x22: {  	s21 =	simm.s32 $0xDD40;
	s22 =	simm.s32 $0x14900;
	s23 =	simm.s32 $0xDD80;
	v14 =	vand.u32 $0xFFFFFC00, v14;
	v16 =	vand.u32 $0xFFFFFC00, v16;
	v18 =	vand.u32 $0xFFFFFC00, v18  }
0x23: {  	s24 =	simm.s32 $0x16900;
	[smem:$0x7FF] =	sst s3;
	s11 =	sshrl.u32 s10, $0x1;
	v20 =	vand.u32 $0xFFFFFC00, v20;
	v21 =	vand.u32 $0x7F, v21;
	v22 =	vshll.u32 v22, $0x3  }
.Ltmp0:
0x24: {  	s2 =	simm.s32 $0x0;
	v24 =	vand.u32 $0xFFFFFC00, v24;
	v26 =	vand.u32 $0xFFFFFC00, v26;
	s0 =	sadd.s32 s0, s12;
	v28 =	vand.u32 $0xFFFFFC00, v28;
	(pc) =	sbr.rel .LBB2_1-.Ltmp0, $4  }
0x25: {  	_ =	strace $0x80000047;
	s10 =	ssub.s32 s10, s11;
	v30 =	vand.u32 $0xFFFFFC00, v30;
	v32 =	vand.u32 $0xFFFFFC00, v32;
	v34 =	vand.u32 $0xFFFFFC00, v34;
	s25 =	smin.u32 s0, $0x17A20  }
0x26: {  	s11 =	simm.s32 $0xC80;
	s12 =	simm.s32 $0x9;
	v37 =	vshll.u32 v35, $0x3;
	v35 =	vand.u32 $0x7F, v36;
	v41 =	vshll.u32 v39, $0x3;
	s26 =	sshll.u32 s25, $0x4  }
0x27: {  	v38 =	vand.u32 $0xFFFFFC00, v38;
	v39 =	vand.u32 $0x7F, v40;
	v22 =	vand.u32 $0xFFFFFC00, v22;
	s6 =	smax.u32 s10, $0x1;
	s0 =	smin.u32 s0, $0x17A00;
	s15 =	sadd.s32 s26, s8  }
0x28: {  	v36 =	vand.u32 $0xFFFFFC00, v37;
	v37 =	vand.u32 $0x7F, v63;
	v40 =	vand.u32 $0xFFFFFC00, v41;
	s8 =	ssub.s32 s25, s0;
	s25 =	simm.s32 $0xB;
	s26 =	simm.s32 $0xC  }
.LBB2_5:
0x29: {  	_ =	swait.ge [sflag:s25], $0x2000  }
0x2a: {  	[sflag:s25] =	ssyncset.done $0x0  }
0x2b: {  	[sflag:s25] =	ssyncadd.s32 $0xFFFFE000  }
0x2c: {  	_ =	swait.ge [sflag:s26], $0x2000  }
0x2d: {  	[sflag:s26] =	ssyncset.done $0x0  }
0x2e: {  	[sflag:s26] =	ssyncadd.s32 $0xFFFFE000  }
0x2f: {  	_ =	swait.ge [sflag:s28], $0x2000  }
0x30: {  	[sflag:s28] =	ssyncset.done $0x0  }
0x31: {  	[sflag:s28] =	ssyncadd.s32 $0xFFFFE000  }
0x32: {  	_ =	swait.ge [sflag:s29], $0x2000  }
0x33: {  	[sflag:s29] =	ssyncset.done $0x0  }
0x34: {  	[sflag:s29] =	ssyncadd.s32 $0xFFFFE000  }
0x35: {  	_ =	swait.ge [sflag:s30], $0x2000  }
0x36: {  	[sflag:s30] =	ssyncset.done $0x0  }
0x37: {  	[sflag:s30] =	ssyncadd.s32 $0xFFFFE000  }
0x38: {  	_ =	swait.ge [sflag:s31], $0x2000  }
0x39: {  	[sflag:s31] =	ssyncset.done $0x0  }
0x3a: {  	s2 =	sadd.s32 $0x1, s2;
	[sflag:s31] =	ssyncadd.s32 $0xFFFFE000  }
0x3b: {  	p0 =	sne.s32 s2, s6;
	_ =	swait.ge [sflag:s12], $0x2000  }
.Ltmp1:
0x3c: {  	[sflag:s12] =	ssyncset.done $0x0;
	(pc) =	sbr.rel @!p0 .LBB2_6-.Ltmp1, $4  }
0x3d: {  	[sflag:s12] =	ssyncadd.s32 $0xFFFFE000  }
0x3e: {  	_ =	swait.ge [sflag:s13], $0x2000  }
0x3f: {  	[sflag:s13] =	ssyncset.done $0x0  }
0x40: {  	[sflag:s13] =	ssyncadd.s32 $0xFFFFE000  }
.LBB2_1:
0x41: {  	[tilespmem:s3], [sflag:$0x9] =	stream.linear.gather [hbm4b:s4+s3], $0xC80, $0x38;
	[tilespmem:$0x1E900] =	vst v63  }
0x42: {  	s0 =	simm.s32 $0x6800;
	s7 =	simm.s32 $0xC3800  }
0x43: {  	[tilespmem:s11], [sflag:$0xA] =	stream.strided.gather [hbm4b:s5+s0], $0xD000, s7, s0, $0x38;
	[tilespmem:$0x1E900] =	vst v63  }
0x44: {  	_ =	swait.ge [sflag:s12], $0xC80  }
0x45: {  	[sflag:s12] =	ssyncset.done $0x0  }
0x46: {  	[sflag:s12] =	ssyncadd.s32 $0xFFFFF380  }
0x47: {  	_ =	swait.ge [sflag:s13], $0xD000  }
0x48: {  	[sflag:s13] =	ssyncset.done $0x0  }
0x49: {  	[sflag:s13] =	ssyncadd.s32 $0xFFFF3000  }
0x4a: {  	v41 =	vld [tilespmem:$0x0];
	_ =	sdelay $0x4  }
0x4b: {  	v42 =	vshrl.u32 v41, $0x3  }
0x4c: {  	v43 =	vld [tilespmem:$0x10];
	v42 =	vmul.u32 $0x6800, v42  }
0x4d: {  	v41 =	vshll.u32 v41, $0x7  }
0x4e: {  	v41 =	vand.u32 $0x380, v41;
	v42 =	vadd.s32 v2, v42  }
0x4f: {  	v41 =	vor.u32 v41, v42  }
0x50: {  	v41 =	vor.u32 v1, v41  }
0x51: {  	v57 =	vshrl.u32 v43, $0x3  }
0x52: {  	v44 =	vld [tilespmem:$0x20];
	v42 =	vmul.u32 $0x6800, v57  }
0x53: {  	v43 =	vshll.u32 v43, $0x7  }
0x54: {  	v43 =	vand.u32 $0x380, v43;
	v42 =	vadd.s32 v4, v42  }
0x55: {  	v42 =	vor.u32 v43, v42;
	v41 =	vld.idx.msk [tilespmem:v41+s11+$0x0], $0xffff  }
0x56: {  	v42 =	vor.u32 v3, v42  }
0x57: {  	v58 =	vshrl.u32 v44, $0x3  }
0x58: {  	v45 =	vld [tilespmem:$0x30];
	v43 =	vmul.u32 $0x6800, v58  }
0x59: {  	v44 =	vshll.u32 v44, $0x7  }
0x5a: {  	v60 =	vand.u32 $0x380, v44;
	v59 =	vadd.s32 v6, v43;
	[tilespmem:$0xDC80] =	vst v41  }
0x5b: {  	v41 =	vor.u32 v60, v59;
	v42 =	vld.idx.msk [tilespmem:v42+s11+$0x0], $0xffff  }
0x5c: {  	v41 =	vor.u32 v5, v41  }
0x5d: {  	v61 =	vshrl.u32 v45, $0x3  }
0x5e: {  	v43 =	vmul.u32 $0x6800, v61  }
0x5f: {  	v62 =	vshll.u32 v45, $0x7  }
0x60: {  	v45 =	vand.u32 $0x380, v62;
	v63 =	vadd.s32 v8, v43;
	[tilespmem:$0xDC90] =	vst v42  }
0x61: {  	v42 =	vor.u32 v45, v63;
	v41 =	vld.idx.msk [tilespmem:v41+s11+$0x0], $0xffff  }
0x62: {  	v42 =	vor.u32 v7, v42;
	_ =	sdelay $0x3  }
0x63: {  	[tilespmem:$0xDCA0] =	vst v41  }
0x64: {  	v41 =	vld.idx.msk [tilespmem:v42+s11+$0x0], $0xffff;
	_ =	sdelay $0x4  }
0x65: {  	s10 =	simm.s32 $0xDC80;
	s16 =	simm.s32 $0xE900;
	[tilespmem:$0xDCB0] =	vst v41  }
0x66: {  	[tilespmem:s16], [sflag:$0x1] =	stream.indirect.gather [hbm4b:s1+s14], $0x80, s10, s14, $0xb8;
	[tilespmem:$0x1E900] =	vst v63  }
0x67: {  	v46 =	vld [tilespmem:$0x40];
	_ =	sdelay $0x4  }
0x68: {  	v47 =	vshrl.u32 v46, $0x3  }
0x69: {  	v48 =	vld [tilespmem:$0x50];
	v42 =	vmul.u32 $0x6800, v47  }
0x6a: {  	v41 =	vshll.u32 v46, $0x7  }
0x6b: {  	v41 =	vand.u32 $0x380, v41;
	v42 =	vadd.s32 v10, v42  }
0x6c: {  	v41 =	vor.u32 v41, v42  }
0x6d: {  	v41 =	vor.u32 v9, v41  }
0x6e: {  	v49 =	vshrl.u32 v48, $0x3  }
0x6f: {  	v50 =	vld [tilespmem:$0x60];
	v42 =	vmul.u32 $0x6800, v49  }
0x70: {  	v43 =	vshll.u32 v48, $0x7  }
0x71: {  	v43 =	vand.u32 $0x380, v43;
	v42 =	vadd.s32 v12, v42  }
0x72: {  	v42 =	vor.u32 v43, v42;
	v41 =	vld.idx.msk [tilespmem:v41+s11+$0x0], $0xffff  }
0x73: {  	v42 =	vor.u32 v11, v42  }
0x74: {  	v51 =	vshrl.u32 v50, $0x3  }
0x75: {  	v52 =	vld [tilespmem:$0x70];
	v43 =	vmul.u32 $0x6800, v51  }
0x76: {  	v44 =	vshll.u32 v50, $0x7  }
0x77: {  	v54 =	vand.u32 $0x380, v44;
	v53 =	vadd.s32 v14, v43;
	[tilespmem:$0xDCC0] =	vst v41  }
0x78: {  	v41 =	vor.u32 v54, v53;
	v42 =	vld.idx.msk [tilespmem:v42+s11+$0x0], $0xffff  }
0x79: {  	v41 =	vor.u32 v13, v41  }
0x7a: {  	v55 =	vshrl.u32 v52, $0x3  }
0x7b: {  	v43 =	vmul.u32 $0x6800, v55  }
0x7c: {  	v56 =	vshll.u32 v52, $0x7  }
0x7d: {  	v58 =	vand.u32 $0x380, v56;
	v57 =	vadd.s32 v16, v43;
	[tilespmem:$0xDCD0] =	vst v42  }
0x7e: {  	v42 =	vor.u32 v58, v57;
	v41 =	vld.idx.msk [tilespmem:v41+s11+$0x0], $0xffff  }
0x7f: {  	v42 =	vor.u32 v15, v42;
	_ =	sdelay $0x3  }
0x80: {  	[tilespmem:$0xDCE0] =	vst v41  }
0x81: {  	v41 =	vld.idx.msk [tilespmem:v42+s11+$0x0], $0xffff;
	_ =	sdelay $0x4  }
0x82: {  	s17 =	simm.s32 $0xDCC0;
	s18 =	simm.s32 $0x10900;
	[tilespmem:$0xDCF0] =	vst v41  }
0x83: {  	[tilespmem:s18], [sflag:$0x2] =	stream.indirect.gather [hbm4b:s1+s14], $0x80, s17, s14, $0xb8;
	[tilespmem:$0x1E900] =	vst v63  }
0x84: {  	v59 =	vld [tilespmem:$0x80];
	_ =	sdelay $0x4  }
0x85: {  	v60 =	vshrl.u32 v59, $0x3  }
0x86: {  	v61 =	vld [tilespmem:$0x90];
	v42 =	vmul.u32 $0x6800, v60  }
0x87: {  	v41 =	vshll.u32 v59, $0x7  }
0x88: {  	v41 =	vand.u32 $0x380, v41;
	v42 =	vadd.s32 v18, v42  }
0x89: {  	v41 =	vor.u32 v41, v42  }
0x8a: {  	v41 =	vor.u32 v17, v41  }
0x8b: {  	v62 =	vshrl.u32 v61, $0x3  }
0x8c: {  	v63 =	vld [tilespmem:$0xA0];
	v42 =	vmul.u32 $0x6800, v62  }
0x8d: {  	v43 =	vshll.u32 v61, $0x7  }
0x8e: {  	v43 =	vand.u32 $0x380, v43;
	v42 =	vadd.s32 v20, v42  }
0x8f: {  	v42 =	vor.u32 v43, v42;
	v41 =	vld.idx.msk [tilespmem:v41+s11+$0x0], $0xffff  }
0x90: {  	v42 =	vor.u32 v19, v42  }
0x91: {  	v48 =	vshrl.u32 v63, $0x3  }
0x92: {  	v49 =	vld [tilespmem:$0xB0];
	v43 =	vmul.u32 $0x6800, v48  }
0x93: {  	v44 =	vshll.u32 v63, $0x7  }
0x94: {  	v51 =	vand.u32 $0x380, v44;
	v50 =	vadd.s32 v22, v43;
	[tilespmem:$0xDD00] =	vst v41  }
0x95: {  	v41 =	vor.u32 v51, v50;
	v42 =	vld.idx.msk [tilespmem:v42+s11+$0x0], $0xffff  }
0x96: {  	v41 =	vor.u32 v21, v41  }
0x97: {  	v52 =	vshrl.u32 v49, $0x3  }
0x98: {  	v43 =	vmul.u32 $0x6800, v52  }
0x99: {  	v53 =	vshll.u32 v49, $0x7  }
0x9a: {  	v55 =	vand.u32 $0x380, v53;
	v54 =	vadd.s32 v24, v43;
	[tilespmem:$0xDD10] =	vst v42  }
0x9b: {  	v42 =	vor.u32 v55, v54;
	v41 =	vld.idx.msk [tilespmem:v41+s11+$0x0], $0xffff  }
0x9c: {  	v42 =	vor.u32 v23, v42;
	_ =	sdelay $0x3  }
0x9d: {  	[tilespmem:$0xDD20] =	vst v41  }
0x9e: {  	v41 =	vld.idx.msk [tilespmem:v42+s11+$0x0], $0xffff;
	_ =	sdelay $0x4  }
0x9f: {  	s19 =	simm.s32 $0xDD00;
	[tilespmem:$0xDD30] =	vst v41  }
0xa0: {  	[tilespmem:s20], [sflag:$0x3] =	stream.indirect.gather [hbm4b:s1+s14], $0x80, s19, s14, $0xb8;
	[tilespmem:$0x1E900] =	vst v63  }
0xa1: {  	v56 =	vld [tilespmem:$0xC0];
	_ =	sdelay $0x4  }
0xa2: {  	v57 =	vshrl.u32 v56, $0x3  }
0xa3: {  	v58 =	vld [tilespmem:$0xD0];
	v42 =	vmul.u32 $0x6800, v57  }
0xa4: {  	v41 =	vshll.u32 v56, $0x7  }
0xa5: {  	v41 =	vand.u32 $0x380, v41;
	v42 =	vadd.s32 v26, v42  }
0xa6: {  	v41 =	vor.u32 v41, v42  }
0xa7: {  	v41 =	vor.u32 v25, v41  }
0xa8: {  	v59 =	vshrl.u32 v58, $0x3  }
0xa9: {  	v60 =	vld [tilespmem:$0xE0];
	v42 =	vmul.u32 $0x6800, v59  }
0xaa: {  	v43 =	vshll.u32 v58, $0x7  }
0xab: {  	v43 =	vand.u32 $0x380, v43;
	v42 =	vadd.s32 v28, v42  }
0xac: {  	v42 =	vor.u32 v43, v42;
	v41 =	vld.idx.msk [tilespmem:v41+s11+$0x0], $0xffff  }
0xad: {  	v42 =	vor.u32 v27, v42  }
0xae: {  	v61 =	vshrl.u32 v60, $0x3  }
0xaf: {  	v62 =	vld [tilespmem:$0xF0];
	v43 =	vmul.u32 $0x6800, v61  }
0xb0: {  	v44 =	vshll.u32 v60, $0x7  }
0xb1: {  	v46 =	vand.u32 $0x380, v44;
	v63 =	vadd.s32 v30, v43;
	[tilespmem:$0xDD40] =	vst v41  }
0xb2: {  	v41 =	vor.u32 v46, v63;
	v42 =	vld.idx.msk [tilespmem:v42+s11+$0x0], $0xffff  }
0xb3: {  	v41 =	vor.u32 v29, v41  }
0xb4: {  	v47 =	vshrl.u32 v62, $0x3  }
0xb5: {  	v43 =	vmul.u32 $0x6800, v47  }
0xb6: {  	v48 =	vshll.u32 v62, $0x7  }
0xb7: {  	v50 =	vand.u32 $0x380, v48;
	v49 =	vadd.s32 v32, v43;
	[tilespmem:$0xDD50] =	vst v42  }
0xb8: {  	v42 =	vor.u32 v50, v49;
	v41 =	vld.idx.msk [tilespmem:v41+s11+$0x0], $0xffff  }
0xb9: {  	v42 =	vor.u32 v31, v42;
	_ =	sdelay $0x3  }
0xba: {  	[tilespmem:$0xDD60] =	vst v41  }
0xbb: {  	v41 =	vld.idx.msk [tilespmem:v42+s11+$0x0], $0xffff;
	_ =	sdelay $0x4  }
0xbc: {  	[tilespmem:$0xDD70] =	vst v41  }
0xbd: {  	[tilespmem:s22], [sflag:$0x4] =	stream.indirect.gather [hbm4b:s1+s14], $0x80, s21, s14, $0xb8;
	[tilespmem:$0x1E900] =	vst v63  }
0xbe: {  	v51 =	vld [tilespmem:$0x100];
	_ =	sdelay $0x4  }
0xbf: {  	v52 =	vshrl.u32 v51, $0x3  }
0xc0: {  	v53 =	vld [tilespmem:$0x110];
	v42 =	vmul.u32 $0x6800, v52  }
0xc1: {  	v41 =	vshll.u32 v51, $0x7  }
0xc2: {  	v41 =	vand.u32 $0x380, v41;
	v42 =	vadd.s32 v34, v42  }
0xc3: {  	v41 =	vor.u32 v41, v42  }
0xc4: {  	v41 =	vor.u32 v33, v41  }
0xc5: {  	v54 =	vshrl.u32 v53, $0x3  }
0xc6: {  	v55 =	vld [tilespmem:$0x120];
	v42 =	vmul.u32 $0x6800, v54  }
0xc7: {  	v43 =	vshll.u32 v53, $0x7  }
0xc8: {  	v43 =	vand.u32 $0x380, v43;
	v42 =	vadd.s32 v36, v42  }
0xc9: {  	v42 =	vor.u32 v43, v42;
	v41 =	vld.idx.msk [tilespmem:v41+s11+$0x0], $0xffff  }
0xca: {  	v42 =	vor.u32 v35, v42  }
0xcb: {  	v56 =	vshrl.u32 v55, $0x3  }
0xcc: {  	v57 =	vld [tilespmem:$0x130];
	v43 =	vmul.u32 $0x6800, v56  }
0xcd: {  	v44 =	vshll.u32 v55, $0x7  }
0xce: {  	v59 =	vand.u32 $0x380, v44;
	v58 =	vadd.s32 v38, v43;
	[tilespmem:$0xDD80] =	vst v41  }
0xcf: {  	v41 =	vor.u32 v59, v58;
	v42 =	vld.idx.msk [tilespmem:v42+s11+$0x0], $0xffff  }
0xd0: {  	v41 =	vor.u32 v37, v41  }
0xd1: {  	v60 =	vshrl.u32 v57, $0x3  }
0xd2: {  	v43 =	vmul.u32 $0x6800, v60  }
0xd3: {  	v61 =	vshll.u32 v57, $0x7  }
0xd4: {  	v63 =	vand.u32 $0x380, v61;
	v62 =	vadd.s32 v40, v43;
	[tilespmem:$0xDD90] =	vst v42  }
0xd5: {  	v42 =	vor.u32 v63, v62;
	v41 =	vld.idx.msk [tilespmem:v41+s11+$0x0], $0xffff  }
0xd6: {  	v42 =	vor.u32 v39, v42;
	_ =	sdelay $0x3  }
0xd7: {  	[tilespmem:$0xDDA0] =	vst v41  }
0xd8: {  	v41 =	vld.idx.msk [tilespmem:v42+s11+$0x0], $0xffff;
	_ =	sdelay $0x1  }
.Ltmp2:
0xd9: {  	_ = 	snop;
	(pc) =	sbr.rel .LBB2_2-.Ltmp2, $4  }
0xda: {  	_ = 	snop  }
0xdb: {  	s9 =	simm.s32 $0x170;
	s0 =	simm.s32 $0xDDC0  }
0xdc: {  	s7 =	smov.u32 s15;
	s10 =	simm.s32 $0x0;
	s16 =	simm.s32 $0x0;
	[tilespmem:$0xDDB0] =	vst v41  }
0xdd: {  	[tilespmem:s24], [sflag:$0x5] =	stream.indirect.gather [hbm4b:s1+s14], $0x80, s23, s14, $0xb8;
	[tilespmem:$0x1E900] =	vst v63  }
.LBB2_4:
0xde: {  	s10 =	sadd.s32 $0x40, s10  }
0xdf: {  	p0 =	sne.s32 s10, $0xC80  }
.Ltmp3:
0xe0: {  	_ = 	snop;
	(pc) =	sbr.rel @!p0 .LBB2_5-.Ltmp3, $3  }
0xe1: {  	_ =	sdelay $0x1  }
0xe2: {  	s16 =	sadd.s32 $0x1, s16  }
0xe3: {  	s7 =	sadd.s32 $0x400, s7;
	s0 =	sadd.s32 $0x40, s0;
	s9 =	sadd.s32 $0x40, s9  }
.LBB2_2:
0xe4: {  	s17 =	sand.u32 $0x7, s16;
	p0 =	sgt.u32 s16, $0x2C  }
.Ltmp4:
0xe5: {  	s18 =	sadd.s32 $0x1, s17;
	(pc) =	sbr.rel @p0 .LBB2_4-.Ltmp4, $4  }
0xe6: {  	_ =	swait.ge [sflag:s18], $0x2000  }
0xe7: {  	s19 =	sshll.u32 s17, $0xD;
	[sflag:s18] =	ssyncset.done $0x0  }
0xe8: {  	s17 =	sadd.s32 $0x9, s17;
	s19 =	sadd.s32 $0xE900, s19;
	[sflag:s18] =	ssyncadd.s32 $0xFFFFE000  }
0xe9: {  	[hbm4b:s7+s3] =	stream.linear.scatter [tilespmem:s19], [sflag:s17], $0x2000, $0x38;
	[tilespmem:$0x1E900] =	vst v63  }
0xea: {  	v41 =	vld [tilespmem:s9+$0xFFFFFFD0];
	_ =	sdelay $0x2  }
0xeb: {  	s17 =	sadd.s32 s10, s8  }
0xec: {  	s18 =	sadd.s32 $0x140, s17  }
0xed: {  	v42 =	vmov s18;
	v43 =	vshrl.u32 v41, $0x3  }
0xee: {  	v42 =	vshll.u32 v42, $0x3;
	v43 =	vmul.u32 $0x6800, v43  }
0xef: {  	v42 =	vand.u32 $0xFFFFFC00, v42;
	v41 =	vshll.u32 v41, $0x7  }
0xf0: {  	v44 =	vor.u32 s18, v0;
	v41 =	vand.u32 $0x380, v41;
	v42 =	vadd.s32 v42, v43  }
0xf1: {  	v51 =	vand.u32 $0x7F, v44;
	v41 =	vor.u32 v41, v42  }
0xf2: {  	v41 =	vor.u32 v51, v41;
	_ =	sdelay $0x4  }
0xf3: {  	v41 =	vld.idx.msk [tilespmem:v41+s11+$0x0], $0xffff;
	_ =	sdelay $0x4  }
0xf4: {  	[tilespmem:s0+$0x0] =	vst v41  }
0xf5: {  	v41 =	vld [tilespmem:s9+$0xFFFFFFE0];
	_ =	sdelay $0x3  }
0xf6: {  	s19 =	sadd.s32 $0x150, s17  }
0xf7: {  	v52 =	vmov s19;
	v53 =	vshrl.u32 v41, $0x3  }
0xf8: {  	v42 =	vshll.u32 v52, $0x3;
	v43 =	vmul.u32 $0x6800, v53  }
0xf9: {  	v42 =	vand.u32 $0xFFFFFC00, v42;
	v41 =	vshll.u32 v41, $0x7  }
0xfa: {  	v54 =	vor.u32 s19, v0;
	v41 =	vand.u32 $0x380, v41;
	v42 =	vadd.s32 v42, v43  }
0xfb: {  	v55 =	vand.u32 $0x7F, v54;
	v41 =	vor.u32 v41, v42  }
0xfc: {  	v41 =	vor.u32 v55, v41;
	_ =	sdelay $0x4  }
0xfd: {  	v41 =	vld.idx.msk [tilespmem:v41+s11+$0x0], $0xffff;
	_ =	sdelay $0x4  }
0xfe: {  	[tilespmem:s0+$0x10] =	vst v41  }
0xff: {  	v41 =	vld [tilespmem:s9+$0xFFFFFFF0];
	_ =	sdelay $0x3  }
0x100: {  	s19 =	sadd.s32 $0x160, s17  }
0x101: {  	v56 =	vmov s19;
	v57 =	vshrl.u32 v41, $0x3  }
0x102: {  	v42 =	vshll.u32 v56, $0x3;
	v43 =	vmul.u32 $0x6800, v57  }
0x103: {  	v42 =	vand.u32 $0xFFFFFC00, v42;
	v41 =	vshll.u32 v41, $0x7  }
0x104: {  	v58 =	vor.u32 s19, v0;
	v41 =	vand.u32 $0x380, v41;
	v42 =	vadd.s32 v42, v43  }
0x105: {  	v59 =	vand.u32 $0x7F, v58;
	v41 =	vor.u32 v41, v42  }
0x106: {  	v41 =	vor.u32 v59, v41;
	_ =	sdelay $0x4  }
0x107: {  	v41 =	vld.idx.msk [tilespmem:v41+s11+$0x0], $0xffff;
	_ =	sdelay $0x4  }
0x108: {  	[tilespmem:s0+$0x20] =	vst v41  }
0x109: {  	v41 =	vld [tilespmem:s9+$0x0];
	_ =	sdelay $0x3  }
0x10a: {  	s17 =	sadd.s32 $0x170, s17  }
0x10b: {  	v60 =	vmov s17;
	v61 =	vshrl.u32 v41, $0x3  }
0x10c: {  	v42 =	vshll.u32 v60, $0x3;
	v43 =	vmul.u32 $0x6800, v61  }
0x10d: {  	v42 =	vand.u32 $0xFFFFFC00, v42;
	v41 =	vshll.u32 v41, $0x7  }
0x10e: {  	v62 =	vor.u32 s17, v0;
	v41 =	vand.u32 $0x380, v41;
	v42 =	vadd.s32 v42, v43  }
0x10f: {  	v63 =	vand.u32 $0x7F, v62;
	v41 =	vor.u32 v41, v42  }
0x110: {  	v41 =	vor.u32 v63, v41;
	_ =	sdelay $0x4  }
0x111: {  	v41 =	vld.idx.msk [tilespmem:v41+s11+$0x0], $0xffff;
	_ =	sdelay $0x2  }
0x112: {  	s18 =	sadd.s32 $0x5, s16  }
0x113: {  	p0 =	slt.u32 s16, $0x3;
	s17 =	sand.u32 $0x7, s18  }
.Ltmp5:
0x114: {  	s18 =	sadd.s32 @!p0 $0x9, s17;
	[tilespmem:s0+$0x30] =	vst v41;
	(pc) =	sbr.rel .LBB2_4-.Ltmp5, $4  }
0x115: {  	_ =	swait.ge @!p0 [sflag:s18], $0x2000  }
0x116: {  	s19 =	sshll.u32 s17, $0xD;
	[sflag:s18] =	ssyncset.done @!p0 $0x0  }
0x117: {  	s17 =	sadd.s32 $0x1, s17;
	s19 =	sadd.s32 $0xE900, s19;
	[sflag:s18] =	ssyncadd.s32 @!p0 $0xFFFFE000  }
0x118: {  	[tilespmem:s19], [sflag:s17] =	stream.indirect.gather [hbm4b:s1+s14], $0x80, s0, s14, $0xb8;
	[tilespmem:$0x1E900] =	vst v63  }
.LBB2_6:
0x119: {  	_ =	sfence.sel $0x180000  }
0x11a: {  	[bflag:$0x0] =	sbarrier.arrive $0xFFFF  }
0x11b: {  	_ =	strace $0x90000047  }
0x11c: {  	s0 =	stileid.u32;
	[bflag:$0x2] =	sbarrier.arrive $0xFFFF  }
0x11d: {  	p0 =	sne.s32 s0, $0x0;
	s0 =	rddreg [dreg:$0x4]  }
0x11e: {  	s0 =	sadd.s32 @!p0 $0x100000, s0  }
0x11f: {  	[sflag:s0] =	ssyncadd.tile.s32 @!p0 $0x1;
	_ =	shalt  }
.Lfunc_end2:
_tile_overlayer_lowered:
.L_overlay_start_2:
0x120: {  	(tag) =	ssettag $0x2  }
0x121: {  	s0 =	rddreg [dreg:$0x0];
	s2 =	stileid.u32  }
0x122: {  	s1 =	rddreg [dreg:$0x1];
	p0 =	sne.s32 s2, $0x0  }
0x123: {  	s3 =	rddreg [dreg:$0x2];
	[bflag:$0x3] =	sbarrier.arrive $0xFFFF;
	s2 =	simm.s32 @!p0 $0x1C11  }
0x124: {  	[timem:s3], [sflag:s2] =	dma.local @!p0 [hbm:s0], s1  }
0x125: {  	s0 =	simm.s32 @!p0 $0x11  }
0x126: {  	_ =	swait.ge @!p0 [sflag:s0], s1  }
0x127: {  	s1 =	ssub.s32 @!p0 $0x0, s1;
	[sflag:s0] =	ssyncset.done @!p0 $0x0  }
0x128: {  	[sflag:s0] =	ssyncadd.s32 @!p0 s1  }
0x129: {  	[bflag:$0x3] =	sbarrier.arrive $0xFFFF  }
0x12a: {  	_ =	shalt  }

</sc_bundles>
